<compile_context>
chip_gen: v7x
topology: tpu7x:2x2x1
jax: 0.10.2.dev20260603
libtpu: 0.0.44.dev20260713+nightly
codegen_flags: <defaults>
</compile_context>

<pallas_src>
import jax
import jax.numpy as jnp
from jax.experimental import pallas as pl
from jax.experimental.pallas import tpu as pltpu

E = 8
TOPK = 2
B = 1024
T = 128
NT_G = B // T
A = B * TOPK + E * T
NT_E = A // T


def _cnn_body(xg, w1, b1, w2, b2, fw1, fb1, fw2, fb2):
    x3 = xg.reshape(28, 28, T)
    xp = jnp.pad(x3, ((2, 2), (2, 2), (0, 0)))
    col = jnp.stack(
        [xp[dy:dy + 28, dx:dx + 28, :] for dy in range(5) for dx in range(5)],
        axis=0)
    h = jax.lax.dot_general(w1, col, (((1,), (0,)), ((), ())),
                            preferred_element_type=jnp.float32)
    h = jnp.maximum(h + b1[:, :, None, None], 0.0)
    h = h.reshape(32, 28, 14, 2, T)
    h = jnp.maximum(h[:, :, :, 0, :], h[:, :, :, 1, :])
    h = h.reshape(32, 14, 2, 14, T)
    h = jnp.maximum(h[:, :, 0, :, :], h[:, :, 1, :, :])

    hp = jnp.pad(h, ((0, 0), (2, 2), (2, 2), (0, 0)))
    acc = None
    for dy in range(5):
        chunk = jnp.stack([hp[:, dy:dy + 14, dx:dx + 14, :] for dx in range(5)],
                          axis=0)
        chunk = chunk.reshape(160, 14, 14, T)
        p = jax.lax.dot_general(w2[:, dy * 160:(dy + 1) * 160], chunk,
                                (((1,), (0,)), ((), ())),
                                preferred_element_type=jnp.float32)
        acc = p if acc is None else acc + p
    h2 = jnp.maximum(acc + b2[:, :, None, None], 0.0)
    h2 = h2.reshape(64, 14, 7, 2, T)
    h2 = jnp.maximum(h2[:, :, :, 0, :], h2[:, :, :, 1, :])
    h2 = h2.reshape(64, 7, 2, 7, T)
    h2 = jnp.maximum(h2[:, :, 0, :, :], h2[:, :, 1, :, :])

    flat = h2.reshape(3136, T)
    f1 = jnp.dot(fw1, flat, preferred_element_type=jnp.float32) + fb1
    f1 = jnp.maximum(f1, 0.0)
    f2 = jnp.dot(fw2, f1, preferred_element_type=jnp.float32) + fb2
    m = jnp.max(f2, axis=0, keepdims=True)
    ex = jnp.exp(f2 - m)
    return ex / jnp.sum(ex, axis=0, keepdims=True)


def _gate_kernel(xt_ref, w1_ref, b1_ref, w2_ref, b2_ref, fw1_ref, fb1_ref,
                 fw2_ref, fb2_ref, out_ref):
    probs = _cnn_body(xt_ref[...], w1_ref[...], b1_ref[...], w2_ref[...],
                      b2_ref[...], fw1_ref[...], fb1_ref[...], fw2_ref[...],
                      fb2_ref[...])
    m1 = jnp.max(probs, axis=0, keepdims=True)
    is1 = probs == m1
    pm = jnp.where(is1, -1e30, probs)
    m2 = jnp.max(pm, axis=0, keepdims=True)
    is2 = pm == m2
    denom = m1 + m2 + 1e-6
    iota_e = jax.lax.broadcasted_iota(jnp.int32, (8, T), 0).astype(jnp.float32)
    i1 = jnp.sum(jnp.where(is1, iota_e, 0.0), axis=0, keepdims=True)
    i2 = jnp.sum(jnp.where(is2, iota_e, 0.0), axis=0, keepdims=True)
    out_ref[...] = jnp.concatenate(
        [i1, i2, m1 / denom, m2 / denom, jnp.zeros((4, probs.shape[1]),
                                                   jnp.float32)], axis=0)


def _dispatch_kernel(nu_ref, tok_ref, xt_ref, out_ref):
    i = pl.program_id(0)

    @pl.when(i < nu_ref[0])
    def _():
        tok = tok_ref[0]
        iota_b = jax.lax.broadcasted_iota(jnp.int32, (B, T), 0)
        oh = jnp.where(iota_b == tok, 1.0, 0.0)
        out_ref[...] = jnp.dot(xt_ref[...], oh,
                               preferred_element_type=jnp.float32)

    @pl.when(i >= nu_ref[0])
    def _():
        out_ref[...] = jnp.zeros_like(out_ref)


def _expert_kernel(te_ref, nu_ref, xg_ref, w1_ref, b1_ref, w2_ref, b2_ref,
                   fw1_ref, fb1_ref, fw2_ref, fb2_ref, out_ref):
    i = pl.program_id(0)

    @pl.when(i < nu_ref[0])
    def _():
        out_ref[...] = _cnn_body(xg_ref[...], w1_ref[0], b1_ref[0], w2_ref[0],
                                 b2_ref[0], fw1_ref[0], fb1_ref[0], fw2_ref[0],
                                 fb2_ref[0])

    @pl.when(i >= nu_ref[0])
    def _():
        out_ref[...] = jnp.zeros_like(out_ref)


def _combine_kernel(eo_ref, tok_ref, w_ref, out_ref):
    iota_a = jax.lax.broadcasted_iota(jnp.int32, (A, B), 1)
    oh = jnp.where(iota_a == tok_ref[...], w_ref[...], 0.0)
    out_ref[...] = jnp.dot(eo_ref[...], oh, preferred_element_type=jnp.float32)


@jax.jit
def kernel(x, gw1, gb1, gw2, gb2, gfw1, gfb1, gfw2, gfb2, ew1, eb1, ew2, eb2,
           efw1, efb1, efw2, efb2):
    f32 = jnp.float32
    x_t = x.reshape(B, 784).T

    gw1r = gw1.reshape(32, 25)
    gw2r = gw2.transpose(0, 2, 3, 1).reshape(64, 800)
    gb1c = gb1.reshape(32, 1)
    gb2c = gb2.reshape(64, 1)
    gfb1c = gfb1.reshape(128, 1)
    gfb2c = gfb2.reshape(8, 1)

    ew1r = ew1.reshape(E, 32, 25)
    ew2r = ew2.transpose(0, 1, 3, 4, 2).reshape(E, 64, 800)
    eb1c = eb1.reshape(E, 32, 1)
    eb2c = eb2.reshape(E, 64, 1)
    efb1c = efb1.reshape(E, 128, 1)
    efw2p = jnp.concatenate([efw2, jnp.zeros((E, 6, 128), f32)], axis=1)
    efb2p = jnp.concatenate([efb2, jnp.full((E, 6), -1e30, f32)],
                            axis=1).reshape(E, 16, 1)

    full = lambda shp: pl.BlockSpec(shp, lambda i: tuple(0 for _ in shp))
    aux = pl.pallas_call(
        _gate_kernel,
        grid=(NT_G,),
        in_specs=[
            pl.BlockSpec((784, T), lambda i: (0, i)),
            full((32, 25)), full((32, 1)), full((64, 800)), full((64, 1)),
            full((128, 3136)), full((128, 1)), full((8, 128)), full((8, 1)),
        ],
        out_specs=pl.BlockSpec((8, T), lambda i: (0, i)),
        out_shape=jax.ShapeDtypeStruct((8, B), f32),
    )(x_t, gw1r, gb1c, gw2r, gb2c, gfw1, gfb1c, gfw2, gfb2c)

    i1 = aux[0].astype(jnp.int32)
    i2 = aux[1].astype(jnp.int32)
    wv1 = aux[2]
    wv2 = aux[3]

    experts = jnp.concatenate([i1, i2])
    tokens = jnp.concatenate([jnp.arange(B, dtype=jnp.int32)] * 2)
    wflat = jnp.concatenate([wv1, wv2])
    order = jnp.argsort(experts)
    es = experts[order]
    ts = tokens[order]
    ws = wflat[order]
    counts = jnp.zeros((E,), jnp.int32).at[es].add(1)
    start = jnp.concatenate([jnp.zeros((1,), jnp.int32),
                             jnp.cumsum(counts)[:-1]])
    padded = ((counts + T - 1) // T) * T
    pad_cum = jnp.cumsum(padded)
    pad_start = jnp.concatenate([jnp.zeros((1,), jnp.int32), pad_cum[:-1]])
    pos = pad_start[es] + jnp.arange(2 * B, dtype=jnp.int32) - start[es]
    tok_p = jnp.zeros((A,), jnp.int32).at[pos].set(ts)
    w_p = jnp.zeros((A,), f32).at[pos].set(ws)
    tile_expert = jnp.minimum(
        jnp.searchsorted(pad_cum, jnp.arange(NT_E, dtype=jnp.int32) * T,
                         side='right'), E - 1).astype(jnp.int32)
    nused = (pad_cum[-1] // T).astype(jnp.int32).reshape(1)

    xg_all = pl.pallas_call(
        _dispatch_kernel,
        grid_spec=pltpu.PrefetchScalarGridSpec(
            num_scalar_prefetch=1,
            grid=(NT_E,),
            in_specs=[
                pl.BlockSpec((1, 1, T), lambda i, nu: (i, 0, 0)),
                pl.BlockSpec((784, B), lambda i, nu: (0, 0)),
            ],
            out_specs=pl.BlockSpec((784, T), lambda i, nu: (0, i)),
        ),
        out_shape=jax.ShapeDtypeStruct((784, A), f32),
    )(nused, tok_p.reshape(NT_E, 1, T), x_t)

    eo = pl.pallas_call(
        _expert_kernel,
        grid_spec=pltpu.PrefetchScalarGridSpec(
            num_scalar_prefetch=2,
            grid=(NT_E,),
            in_specs=[
                pl.BlockSpec((784, T), lambda i, te, nu: (0, i)),
                pl.BlockSpec((1, 32, 25), lambda i, te, nu: (te[i], 0, 0)),
                pl.BlockSpec((1, 32, 1), lambda i, te, nu: (te[i], 0, 0)),
                pl.BlockSpec((1, 64, 800), lambda i, te, nu: (te[i], 0, 0)),
                pl.BlockSpec((1, 64, 1), lambda i, te, nu: (te[i], 0, 0)),
                pl.BlockSpec((1, 128, 3136), lambda i, te, nu: (te[i], 0, 0)),
                pl.BlockSpec((1, 128, 1), lambda i, te, nu: (te[i], 0, 0)),
                pl.BlockSpec((1, 16, 128), lambda i, te, nu: (te[i], 0, 0)),
                pl.BlockSpec((1, 16, 1), lambda i, te, nu: (te[i], 0, 0)),
            ],
            out_specs=pl.BlockSpec((16, T), lambda i, te, nu: (0, i)),
        ),
        out_shape=jax.ShapeDtypeStruct((16, A), f32),
    )(tile_expert, nused, xg_all, ew1r, eb1c, ew2r, eb2c, efw1, efb1c, efw2p,
      efb2p)

    out16 = pl.pallas_call(
        _combine_kernel,
        out_shape=jax.ShapeDtypeStruct((16, B), f32),
    )(eo, tok_p.reshape(A, 1), w_p.reshape(A, 1))

    return out16[:10].T

# --- scband reference (transcript-rebuilt; emitter-appended) ---
"""Pipeline reference for scband-mo-e-27015344291985 (READ-ONLY COPY).

The authoritative reference and input builder live on the scoring server;
editing this copy changes nothing except your own understanding.
"""

import jax, jax.numpy as jnp
import numpy as np

E = 8
K = 2
B = 1024
HID = 32

def conv2d(x, w, b):
    y = jax.lax.conv_general_dilated(x, w, (1, 1), ((2, 2), (2, 2)), dimension_numbers=('NCHW', 'OIHW', 'NCHW'))
    return y + b[None, :, None, None]

def maxpool2(x):
    return jax.lax.reduce_window(x, -jnp.inf, jax.lax.max, (1, 1, 2, 2), (1, 1, 2, 2), 'VALID')

def cnn_apply(x, w1, b1, w2, b2, fw1, fb1, fw2, fb2):
    h = jax.nn.relu(conv2d(x, w1, b1))
    h = maxpool2(h)
    h = jax.nn.relu(conv2d(h, w2, b2))
    h = maxpool2(h)
    h = h.reshape(h.shape[0], -1)
    h = jax.nn.relu(h @ fw1.T + fb1)
    h = h @ fw2.T + fb2
    return jax.nn.softmax(h, axis=1)

def setup_inputs(seed: int = 0):
    key = jax.random.key(seed)
    ks = jax.random.split(key, 16)
    def mk(k, shape, fan_in):
        return jax.random.normal(k, shape, dtype=jnp.float32) * (1.0 / np.sqrt(fan_in))
    x = jax.random.normal(ks[0], (B, 1, 28, 28), dtype=jnp.float32)
    gw1 = mk(ks[1], (HID, 1, 5, 5), 25)
    gb1 = jnp.zeros((HID,), jnp.float32)
    gw2 = mk(ks[2], (2 * HID, HID, 5, 5), 25 * HID)
    gb2 = jnp.zeros((2 * HID,), jnp.float32)
    gfw1 = mk(ks[3], (128, 64 * 7 * 7), 64 * 7 * 7)
    gfb1 = jnp.zeros((128,), jnp.float32)
    gfw2 = mk(ks[4], (E, 128), 128)
    gfb2 = jnp.zeros((E,), jnp.float32)
    ew1 = mk(ks[5], (E, HID, 1, 5, 5), 25)
    eb1 = jnp.zeros((E, HID), jnp.float32)
    ew2 = mk(ks[6], (E, 2 * HID, HID, 5, 5), 25 * HID)
    eb2 = jnp.zeros((E, 2 * HID), jnp.float32)
    efw1 = mk(ks[7], (E, 128, 64 * 7 * 7), 64 * 7 * 7)
    efb1 = jnp.zeros((E, 128), jnp.float32)
    efw2 = mk(ks[8], (E, 10, 128), 128)
    efb2 = jnp.zeros((E, 10), jnp.float32)
    return {"x": x, "gw1": gw1, "gb1": gb1, "gw2": gw2, "gb2": gb2, "gfw1": gfw1, "gfb1": gfb1, "gfw2": gfw2, "gfb2": gfb2, "ew1": ew1, "eb1": eb1, "ew2": ew2, "eb2": eb2, "efw1": efw1, "efb1": efb1, "efw2": efw2, "efb2": efb2}

def reference(x, gw1, gb1, gw2, gb2, gfw1, gfb1, gfw2, gfb2, ew1, eb1, ew2, eb2, efw1, efb1, efw2, efb2):
    # Gate network (GateCNN, eval mode, dropout=identity) outputs softmax probs over experts
    gate_probs = cnn_apply(x, gw1, gb1, gw2, gb2, gfw1, gfb1, gfw2, gfb2)
    # top-k gating: keep top-k gate values, renormalize, scatter into dense [B, E] gates
    top_vals, top_idx = jax.lax.top_k(gate_probs, K)
    top_gates = top_vals / (jnp.sum(top_vals, axis=1, keepdims=True) + 1e-6)
    gates = jnp.zeros((x.shape[0], E), jnp.float32).at[jnp.arange(x.shape[0])[:, None], top_idx].set(top_gates)
    # expert CNNs; SparseDispatcher semantics: output[b] = sum_i gates[b,i] * expert_i(x[b])
    expert_out = jnp.stack([cnn_apply(x, ew1[i], eb1[i], ew2[i], eb2[i], efw1[i], efb1[i], efw2[i], efb2[i]) for i in range(ew1.shape[0])])
    combined = jnp.einsum('be,ebo->bo', gates, expert_out)
    return combined

if __name__ == "__main__":
    import jax
    _d = setup_inputs()
    print(jax.jit(kernel)(*tuple(_d.values())))

</pallas_src>

<mosaic_0001>
module attributes {stable_mosaic.version = 14 : i64} {
  func.func @_gate_kernel(%arg0: i32, %arg1: memref<784x128xf32, #tpu.memory_space<vmem>>, %arg2: memref<32x25xf32, #tpu.memory_space<vmem>>, %arg3: memref<32x1xf32, #tpu.memory_space<vmem>>, %arg4: memref<64x800xf32, #tpu.memory_space<vmem>>, %arg5: memref<64x1xf32, #tpu.memory_space<vmem>>, %arg6: memref<128x3136xf32, #tpu.memory_space<vmem>>, %arg7: memref<128x1xf32, #tpu.memory_space<vmem>>, %arg8: memref<8x128xf32, #tpu.memory_space<vmem>>, %arg9: memref<8x1xf32, #tpu.memory_space<vmem>>, %arg10: memref<8x128xf32, #tpu.memory_space<vmem>>) attributes {dimension_semantics = [#tpu.dimension_semantics<arbitrary>], iteration_bounds = array<i64: 8>, scalar_prefetch = 0 : i64, scratch_operands = 0 : i64, tpu.core_type = #tpu.core_type<tc>, window_params = [{transform_indices = @transform_0, window_bounds = array<i64: 784, 128>}, {pipeline_mode = #tpu.pipeline_mode<synchronous>, transform_indices = @transform_1, window_bounds = array<i64: 32, 25>}, {pipeline_mode = #tpu.pipeline_mode<synchronous>, transform_indices = @transform_2, window_bounds = array<i64: 32, 1>}, {pipeline_mode = #tpu.pipeline_mode<synchronous>, transform_indices = @transform_3, window_bounds = array<i64: 64, 800>}, {pipeline_mode = #tpu.pipeline_mode<synchronous>, transform_indices = @transform_4, window_bounds = array<i64: 64, 1>}, {pipeline_mode = #tpu.pipeline_mode<synchronous>, transform_indices = @transform_5, window_bounds = array<i64: 128, 3136>}, {pipeline_mode = #tpu.pipeline_mode<synchronous>, transform_indices = @transform_6, window_bounds = array<i64: 128, 1>}, {pipeline_mode = #tpu.pipeline_mode<synchronous>, transform_indices = @transform_7, window_bounds = array<i64: 8, 128>}, {pipeline_mode = #tpu.pipeline_mode<synchronous>, transform_indices = @transform_8, window_bounds = array<i64: 8, 1>}, {transform_indices = @transform_9, window_bounds = array<i64: 8, 128>}]} {
    %get3A = arith.constant 0 : index
    %get3A_0 = arith.constant 0 : index
    %get3A_1 = vector.load %arg1[%get3A, %get3A_0] : memref<784x128xf32, #tpu.memory_space<vmem>>, vector<784x128xf32>
    %get3A_2 = arith.constant 0 : index
    %get3A_3 = arith.constant 0 : index
    %get3A_4 = vector.load %arg2[%get3A_2, %get3A_3] : memref<32x25xf32, #tpu.memory_space<vmem>>, vector<32x25xf32>
    %get3A_5 = arith.constant 0 : index
    %get3A_6 = arith.constant 0 : index
    %get3A_7 = vector.load %arg3[%get3A_5, %get3A_6] : memref<32x1xf32, #tpu.memory_space<vmem>>, vector<32x1xf32>
    %get3A_8 = arith.constant 0 : index
    %get3A_9 = arith.constant 0 : index
    %get3A_10 = vector.load %arg4[%get3A_8, %get3A_9] : memref<64x800xf32, #tpu.memory_space<vmem>>, vector<64x800xf32>
    %get3A_11 = arith.constant 0 : index
    %get3A_12 = arith.constant 0 : index
    %get3A_13 = vector.load %arg5[%get3A_11, %get3A_12] : memref<64x1xf32, #tpu.memory_space<vmem>>, vector<64x1xf32>
    %get3A_14 = arith.constant 0 : index
    %get3A_15 = arith.constant 0 : index
    %get3A_16 = vector.load %arg6[%get3A_14, %get3A_15] : memref<128x3136xf32, #tpu.memory_space<vmem>>, vector<128x3136xf32>
    %get3A_17 = arith.constant 0 : index
    %get3A_18 = arith.constant 0 : index
    %get3A_19 = vector.load %arg7[%get3A_17, %get3A_18] : memref<128x1xf32, #tpu.memory_space<vmem>>, vector<128x1xf32>
    %get3A_20 = arith.constant 0 : index
    %get3A_21 = arith.constant 0 : index
    %get3A_22 = vector.load %arg8[%get3A_20, %get3A_21] : memref<8x128xf32, #tpu.memory_space<vmem>>, vector<8x128xf32>
    %get3A_23 = arith.constant 0 : index
    %get3A_24 = arith.constant 0 : index
    %get3A_25 = vector.load %arg9[%get3A_23, %get3A_24] : memref<8x1xf32, #tpu.memory_space<vmem>>, vector<8x1xf32>
    %reshape3A = vector.shape_cast %get3A_1 : vector<784x128xf32> to vector<28x28x128xf32>
    %jit3A = arith.constant 0 : i32
    %convert_element_type3A = arith.sitofp %jit3A : i32 to f32
    %pad3A = vector.broadcast %convert_element_type3A : f32 to vector<2x28x128xf32>
    %pad3A_26 = tpu.concatenate %pad3A, %reshape3A in 0 : vector<2x28x128xf32>, vector<28x28x128xf32> -> vector<30x28x128xf32>
    %pad3A_27 = vector.broadcast %convert_element_type3A : f32 to vector<2x28x128xf32>
    %pad3A_28 = tpu.concatenate %pad3A_26, %pad3A_27 in 0 : vector<30x28x128xf32>, vector<2x28x128xf32> -> vector<32x28x128xf32>
    %pad3A_29 = vector.broadcast %convert_element_type3A : f32 to vector<32x2x128xf32>
    %pad3A_30 = tpu.concatenate %pad3A_29, %pad3A_28 in 1 : vector<32x2x128xf32>, vector<32x28x128xf32> -> vector<32x30x128xf32>
    %pad3A_31 = vector.broadcast %convert_element_type3A : f32 to vector<32x2x128xf32>
    %pad3A_32 = tpu.concatenate %pad3A_30, %pad3A_31 in 1 : vector<32x30x128xf32>, vector<32x2x128xf32> -> vector<32x32x128xf32>
    %slice3A = vector.extract_strided_slice %pad3A_32 {offsets = [0, 0, 0], sizes = [28, 28, 128], strides = [1, 1, 1]} : vector<32x32x128xf32> to vector<28x28x128xf32>
    %slice3A_33 = vector.extract_strided_slice %pad3A_32 {offsets = [0, 1, 0], sizes = [28, 28, 128], strides = [1, 1, 1]} : vector<32x32x128xf32> to vector<28x28x128xf32>
    %slice3A_34 = vector.extract_strided_slice %pad3A_32 {offsets = [0, 2, 0], sizes = [28, 28, 128], strides = [1, 1, 1]} : vector<32x32x128xf32> to vector<28x28x128xf32>
    %slice3A_35 = vector.extract_strided_slice %pad3A_32 {offsets = [0, 3, 0], sizes = [28, 28, 128], strides = [1, 1, 1]} : vector<32x32x128xf32> to vector<28x28x128xf32>
    %slice3A_36 = vector.extract_strided_slice %pad3A_32 {offsets = [0, 4, 0], sizes = [28, 28, 128], strides = [1, 1, 1]} : vector<32x32x128xf32> to vector<28x28x128xf32>
    %slice3A_37 = vector.extract_strided_slice %pad3A_32 {offsets = [1, 0, 0], sizes = [28, 28, 128], strides = [1, 1, 1]} : vector<32x32x128xf32> to vector<28x28x128xf32>
    %slice3A_38 = vector.extract_strided_slice %pad3A_32 {offsets = [1, 1, 0], sizes = [28, 28, 128], strides = [1, 1, 1]} : vector<32x32x128xf32> to vector<28x28x128xf32>
    %slice3A_39 = vector.extract_strided_slice %pad3A_32 {offsets = [1, 2, 0], sizes = [28, 28, 128], strides = [1, 1, 1]} : vector<32x32x128xf32> to vector<28x28x128xf32>
    %slice3A_40 = vector.extract_strided_slice %pad3A_32 {offsets = [1, 3, 0], sizes = [28, 28, 128], strides = [1, 1, 1]} : vector<32x32x128xf32> to vector<28x28x128xf32>
    %slice3A_41 = vector.extract_strided_slice %pad3A_32 {offsets = [1, 4, 0], sizes = [28, 28, 128], strides = [1, 1, 1]} : vector<32x32x128xf32> to vector<28x28x128xf32>
    %slice3A_42 = vector.extract_strided_slice %pad3A_32 {offsets = [2, 0, 0], sizes = [28, 28, 128], strides = [1, 1, 1]} : vector<32x32x128xf32> to vector<28x28x128xf32>
    %slice3A_43 = vector.extract_strided_slice %pad3A_32 {offsets = [2, 1, 0], sizes = [28, 28, 128], strides = [1, 1, 1]} : vector<32x32x128xf32> to vector<28x28x128xf32>
    %slice3A_44 = vector.extract_strided_slice %pad3A_32 {offsets = [2, 2, 0], sizes = [28, 28, 128], strides = [1, 1, 1]} : vector<32x32x128xf32> to vector<28x28x128xf32>
    %slice3A_45 = vector.extract_strided_slice %pad3A_32 {offsets = [2, 3, 0], sizes = [28, 28, 128], strides = [1, 1, 1]} : vector<32x32x128xf32> to vector<28x28x128xf32>
    %slice3A_46 = vector.extract_strided_slice %pad3A_32 {offsets = [2, 4, 0], sizes = [28, 28, 128], strides = [1, 1, 1]} : vector<32x32x128xf32> to vector<28x28x128xf32>
    %slice3A_47 = vector.extract_strided_slice %pad3A_32 {offsets = [3, 0, 0], sizes = [28, 28, 128], strides = [1, 1, 1]} : vector<32x32x128xf32> to vector<28x28x128xf32>
    %slice3A_48 = vector.extract_strided_slice %pad3A_32 {offsets = [3, 1, 0], sizes = [28, 28, 128], strides = [1, 1, 1]} : vector<32x32x128xf32> to vector<28x28x128xf32>
    %slice3A_49 = vector.extract_strided_slice %pad3A_32 {offsets = [3, 2, 0], sizes = [28, 28, 128], strides = [1, 1, 1]} : vector<32x32x128xf32> to vector<28x28x128xf32>
    %slice3A_50 = vector.extract_strided_slice %pad3A_32 {offsets = [3, 3, 0], sizes = [28, 28, 128], strides = [1, 1, 1]} : vector<32x32x128xf32> to vector<28x28x128xf32>
    %slice3A_51 = vector.extract_strided_slice %pad3A_32 {offsets = [3, 4, 0], sizes = [28, 28, 128], strides = [1, 1, 1]} : vector<32x32x128xf32> to vector<28x28x128xf32>
    %slice3A_52 = vector.extract_strided_slice %pad3A_32 {offsets = [4, 0, 0], sizes = [28, 28, 128], strides = [1, 1, 1]} : vector<32x32x128xf32> to vector<28x28x128xf32>
    %slice3A_53 = vector.extract_strided_slice %pad3A_32 {offsets = [4, 1, 0], sizes = [28, 28, 128], strides = [1, 1, 1]} : vector<32x32x128xf32> to vector<28x28x128xf32>
    %slice3A_54 = vector.extract_strided_slice %pad3A_32 {offsets = [4, 2, 0], sizes = [28, 28, 128], strides = [1, 1, 1]} : vector<32x32x128xf32> to vector<28x28x128xf32>
    %slice3A_55 = vector.extract_strided_slice %pad3A_32 {offsets = [4, 3, 0], sizes = [28, 28, 128], strides = [1, 1, 1]} : vector<32x32x128xf32> to vector<28x28x128xf32>
    %slice3A_56 = vector.extract_strided_slice %pad3A_32 {offsets = [4, 4, 0], sizes = [28, 28, 128], strides = [1, 1, 1]} : vector<32x32x128xf32> to vector<28x28x128xf32>
    %stack3A = vector.shape_cast %slice3A : vector<28x28x128xf32> to vector<1x28x28x128xf32>
    %stack3A_57 = vector.shape_cast %slice3A_33 : vector<28x28x128xf32> to vector<1x28x28x128xf32>
    %stack3A_58 = vector.shape_cast %slice3A_34 : vector<28x28x128xf32> to vector<1x28x28x128xf32>
    %stack3A_59 = vector.shape_cast %slice3A_35 : vector<28x28x128xf32> to vector<1x28x28x128xf32>
    %stack3A_60 = vector.shape_cast %slice3A_36 : vector<28x28x128xf32> to vector<1x28x28x128xf32>
    %stack3A_61 = vector.shape_cast %slice3A_37 : vector<28x28x128xf32> to vector<1x28x28x128xf32>
    %stack3A_62 = vector.shape_cast %slice3A_38 : vector<28x28x128xf32> to vector<1x28x28x128xf32>
    %stack3A_63 = vector.shape_cast %slice3A_39 : vector<28x28x128xf32> to vector<1x28x28x128xf32>
    %stack3A_64 = vector.shape_cast %slice3A_40 : vector<28x28x128xf32> to vector<1x28x28x128xf32>
    %stack3A_65 = vector.shape_cast %slice3A_41 : vector<28x28x128xf32> to vector<1x28x28x128xf32>
    %stack3A_66 = vector.shape_cast %slice3A_42 : vector<28x28x128xf32> to vector<1x28x28x128xf32>
    %stack3A_67 = vector.shape_cast %slice3A_43 : vector<28x28x128xf32> to vector<1x28x28x128xf32>
    %stack3A_68 = vector.shape_cast %slice3A_44 : vector<28x28x128xf32> to vector<1x28x28x128xf32>
    %stack3A_69 = vector.shape_cast %slice3A_45 : vector<28x28x128xf32> to vector<1x28x28x128xf32>
    %stack3A_70 = vector.shape_cast %slice3A_46 : vector<28x28x128xf32> to vector<1x28x28x128xf32>
    %stack3A_71 = vector.shape_cast %slice3A_47 : vector<28x28x128xf32> to vector<1x28x28x128xf32>
    %stack3A_72 = vector.shape_cast %slice3A_48 : vector<28x28x128xf32> to vector<1x28x28x128xf32>
    %stack3A_73 = vector.shape_cast %slice3A_49 : vector<28x28x128xf32> to vector<1x28x28x128xf32>
    %stack3A_74 = vector.shape_cast %slice3A_50 : vector<28x28x128xf32> to vector<1x28x28x128xf32>
    %stack3A_75 = vector.shape_cast %slice3A_51 : vector<28x28x128xf32> to vector<1x28x28x128xf32>
    %stack3A_76 = vector.shape_cast %slice3A_52 : vector<28x28x128xf32> to vector<1x28x28x128xf32>
    %stack3A_77 = vector.shape_cast %slice3A_53 : vector<28x28x128xf32> to vector<1x28x28x128xf32>
    %stack3A_78 = vector.shape_cast %slice3A_54 : vector<28x28x128xf32> to vector<1x28x28x128xf32>
    %stack3A_79 = vector.shape_cast %slice3A_55 : vector<28x28x128xf32> to vector<1x28x28x128xf32>
    %stack3A_80 = vector.shape_cast %slice3A_56 : vector<28x28x128xf32> to vector<1x28x28x128xf32>
    %stack3A_81 = tpu.concatenate %stack3A, %stack3A_57, %stack3A_58, %stack3A_59, %stack3A_60, %stack3A_61, %stack3A_62, %stack3A_63, %stack3A_64, %stack3A_65, %stack3A_66, %stack3A_67, %stack3A_68, %stack3A_69, %stack3A_70, %stack3A_71, %stack3A_72, %stack3A_73, %stack3A_74, %stack3A_75, %stack3A_76, %stack3A_77, %stack3A_78, %stack3A_79, %stack3A_80 in 0 : vector<1x28x28x128xf32>, vector<1x28x28x128xf32>, vector<1x28x28x128xf32>, vector<1x28x28x128xf32>, vector<1x28x28x128xf32>, vector<1x28x28x128xf32>, vector<1x28x28x128xf32>, vector<1x28x28x128xf32>, vector<1x28x28x128xf32>, vector<1x28x28x128xf32>, vector<1x28x28x128xf32>, vector<1x28x28x128xf32>, vector<1x28x28x128xf32>, vector<1x28x28x128xf32>, vector<1x28x28x128xf32>, vector<1x28x28x128xf32>, vector<1x28x28x128xf32>, vector<1x28x28x128xf32>, vector<1x28x28x128xf32>, vector<1x28x28x128xf32>, vector<1x28x28x128xf32>, vector<1x28x28x128xf32>, vector<1x28x28x128xf32>, vector<1x28x28x128xf32>, vector<1x28x28x128xf32> -> vector<25x28x28x128xf32>
    %dot_general3A = arith.constant dense<0.000000e+00> : vector<32x28x28x128xf32>
    %dot_general3A_82 = tpu.matmul %get3A_4, %stack3A_81, %dot_general3A {dimension_numbers = #tpu.dot_dimension_numbers<[1], [0], [0], [1, 2, 3], [0, 0, 1, 1, 1, 2, 1, 3], [], []>, transpose_lhs_hint = false} : vector<32x25xf32>, vector<25x28x28x128xf32>, vector<32x28x28x128xf32> -> vector<32x28x28x128xf32>
    %broadcast_in_dim3A = vector.shape_cast %get3A_7 : vector<32x1xf32> to vector<32x1x1x1xf32>
    %add3A = vector.broadcast %broadcast_in_dim3A : vector<32x1x1x1xf32> to vector<32x28x28x128xf32>
    %add3A_83 = arith.addf %dot_general3A_82, %add3A : vector<32x28x28x128xf32>
    %max3A = arith.constant 0.000000e+00 : f32
    %max3A_84 = vector.broadcast %max3A : f32 to vector<32x28x28x128xf32>
    %max3A_85 = arith.maximumf %add3A_83, %max3A_84 : vector<32x28x28x128xf32>
    %reshape3A_86 = vector.shape_cast %max3A_85 : vector<32x28x28x128xf32> to vector<32x28x14x2x128xf32>
    %slice3A_87 = vector.extract_strided_slice %reshape3A_86 {offsets = [0, 0, 0, 0, 0], sizes = [32, 28, 14, 1, 128], strides = [1, 1, 1, 1, 1]} : vector<32x28x14x2x128xf32> to vector<32x28x14x1x128xf32>
    %squeeze3A = vector.shape_cast %slice3A_87 : vector<32x28x14x1x128xf32> to vector<32x28x14x128xf32>
    %slice3A_88 = vector.extract_strided_slice %reshape3A_86 {offsets = [0, 0, 0, 1, 0], sizes = [32, 28, 14, 1, 128], strides = [1, 1, 1, 1, 1]} : vector<32x28x14x2x128xf32> to vector<32x28x14x1x128xf32>
    %squeeze3A_89 = vector.shape_cast %slice3A_88 : vector<32x28x14x1x128xf32> to vector<32x28x14x128xf32>
    %max3A_90 = arith.maximumf %squeeze3A, %squeeze3A_89 : vector<32x28x14x128xf32>
    %reshape3A_91 = vector.shape_cast %max3A_90 : vector<32x28x14x128xf32> to vector<32x14x2x14x128xf32>
    %slice3A_92 = vector.extract_strided_slice %reshape3A_91 {offsets = [0, 0, 0, 0, 0], sizes = [32, 14, 1, 14, 128], strides = [1, 1, 1, 1, 1]} : vector<32x14x2x14x128xf32> to vector<32x14x1x14x128xf32>
    %squeeze3A_93 = vector.shape_cast %slice3A_92 : vector<32x14x1x14x128xf32> to vector<32x14x14x128xf32>
    %slice3A_94 = vector.extract_strided_slice %reshape3A_91 {offsets = [0, 0, 1, 0, 0], sizes = [32, 14, 1, 14, 128], strides = [1, 1, 1, 1, 1]} : vector<32x14x2x14x128xf32> to vector<32x14x1x14x128xf32>
    %squeeze3A_95 = vector.shape_cast %slice3A_94 : vector<32x14x1x14x128xf32> to vector<32x14x14x128xf32>
    %max3A_96 = arith.maximumf %squeeze3A_93, %squeeze3A_95 : vector<32x14x14x128xf32>
    %jit3A_97 = arith.constant 0 : i32
    %convert_element_type3A_98 = arith.sitofp %jit3A_97 : i32 to f32
    %pad3A_99 = vector.broadcast %convert_element_type3A_98 : f32 to vector<32x2x14x128xf32>
    %pad3A_100 = tpu.concatenate %pad3A_99, %max3A_96 in 1 : vector<32x2x14x128xf32>, vector<32x14x14x128xf32> -> vector<32x16x14x128xf32>
    %pad3A_101 = vector.broadcast %convert_element_type3A_98 : f32 to vector<32x2x14x128xf32>
    %pad3A_102 = tpu.concatenate %pad3A_100, %pad3A_101 in 1 : vector<32x16x14x128xf32>, vector<32x2x14x128xf32> -> vector<32x18x14x128xf32>
    %pad3A_103 = vector.broadcast %convert_element_type3A_98 : f32 to vector<32x18x2x128xf32>
    %pad3A_104 = tpu.concatenate %pad3A_103, %pad3A_102 in 2 : vector<32x18x2x128xf32>, vector<32x18x14x128xf32> -> vector<32x18x16x128xf32>
    %pad3A_105 = vector.broadcast %convert_element_type3A_98 : f32 to vector<32x18x2x128xf32>
    %pad3A_106 = tpu.concatenate %pad3A_104, %pad3A_105 in 2 : vector<32x18x16x128xf32>, vector<32x18x2x128xf32> -> vector<32x18x18x128xf32>
    %slice3A_107 = vector.extract_strided_slice %pad3A_106 {offsets = [0, 0, 0, 0], sizes = [32, 14, 14, 128], strides = [1, 1, 1, 1]} : vector<32x18x18x128xf32> to vector<32x14x14x128xf32>
    %slice3A_108 = vector.extract_strided_slice %pad3A_106 {offsets = [0, 0, 1, 0], sizes = [32, 14, 14, 128], strides = [1, 1, 1, 1]} : vector<32x18x18x128xf32> to vector<32x14x14x128xf32>
    %slice3A_109 = vector.extract_strided_slice %pad3A_106 {offsets = [0, 0, 2, 0], sizes = [32, 14, 14, 128], strides = [1, 1, 1, 1]} : vector<32x18x18x128xf32> to vector<32x14x14x128xf32>
    %slice3A_110 = vector.extract_strided_slice %pad3A_106 {offsets = [0, 0, 3, 0], sizes = [32, 14, 14, 128], strides = [1, 1, 1, 1]} : vector<32x18x18x128xf32> to vector<32x14x14x128xf32>
    %slice3A_111 = vector.extract_strided_slice %pad3A_106 {offsets = [0, 0, 4, 0], sizes = [32, 14, 14, 128], strides = [1, 1, 1, 1]} : vector<32x18x18x128xf32> to vector<32x14x14x128xf32>
    %stack3A_112 = vector.shape_cast %slice3A_107 : vector<32x14x14x128xf32> to vector<1x32x14x14x128xf32>
    %stack3A_113 = vector.shape_cast %slice3A_108 : vector<32x14x14x128xf32> to vector<1x32x14x14x128xf32>
    %stack3A_114 = vector.shape_cast %slice3A_109 : vector<32x14x14x128xf32> to vector<1x32x14x14x128xf32>
    %stack3A_115 = vector.shape_cast %slice3A_110 : vector<32x14x14x128xf32> to vector<1x32x14x14x128xf32>
    %stack3A_116 = vector.shape_cast %slice3A_111 : vector<32x14x14x128xf32> to vector<1x32x14x14x128xf32>
    %stack3A_117 = tpu.concatenate %stack3A_112, %stack3A_113, %stack3A_114, %stack3A_115, %stack3A_116 in 0 : vector<1x32x14x14x128xf32>, vector<1x32x14x14x128xf32>, vector<1x32x14x14x128xf32>, vector<1x32x14x14x128xf32>, vector<1x32x14x14x128xf32> -> vector<5x32x14x14x128xf32>
    %reshape3A_118 = vector.shape_cast %stack3A_117 : vector<5x32x14x14x128xf32> to vector<160x14x14x128xf32>
    %slice3A_119 = vector.extract_strided_slice %get3A_10 {offsets = [0, 0], sizes = [64, 160], strides = [1, 1]} : vector<64x800xf32> to vector<64x160xf32>
    %dot_general3A_120 = arith.constant dense<0.000000e+00> : vector<64x14x14x128xf32>
    %dot_general3A_121 = tpu.matmul %slice3A_119, %reshape3A_118, %dot_general3A_120 {dimension_numbers = #tpu.dot_dimension_numbers<[1], [0], [0], [1, 2, 3], [0, 0, 1, 1, 1, 2, 1, 3], [], []>, transpose_lhs_hint = false} : vector<64x160xf32>, vector<160x14x14x128xf32>, vector<64x14x14x128xf32> -> vector<64x14x14x128xf32>
    %slice3A_122 = vector.extract_strided_slice %pad3A_106 {offsets = [0, 1, 0, 0], sizes = [32, 14, 14, 128], strides = [1, 1, 1, 1]} : vector<32x18x18x128xf32> to vector<32x14x14x128xf32>
    %slice3A_123 = vector.extract_strided_slice %pad3A_106 {offsets = [0, 1, 1, 0], sizes = [32, 14, 14, 128], strides = [1, 1, 1, 1]} : vector<32x18x18x128xf32> to vector<32x14x14x128xf32>
    %slice3A_124 = vector.extract_strided_slice %pad3A_106 {offsets = [0, 1, 2, 0], sizes = [32, 14, 14, 128], strides = [1, 1, 1, 1]} : vector<32x18x18x128xf32> to vector<32x14x14x128xf32>
    %slice3A_125 = vector.extract_strided_slice %pad3A_106 {offsets = [0, 1, 3, 0], sizes = [32, 14, 14, 128], strides = [1, 1, 1, 1]} : vector<32x18x18x128xf32> to vector<32x14x14x128xf32>
    %slice3A_126 = vector.extract_strided_slice %pad3A_106 {offsets = [0, 1, 4, 0], sizes = [32, 14, 14, 128], strides = [1, 1, 1, 1]} : vector<32x18x18x128xf32> to vector<32x14x14x128xf32>
    %stack3A_127 = vector.shape_cast %slice3A_122 : vector<32x14x14x128xf32> to vector<1x32x14x14x128xf32>
    %stack3A_128 = vector.shape_cast %slice3A_123 : vector<32x14x14x128xf32> to vector<1x32x14x14x128xf32>
    %stack3A_129 = vector.shape_cast %slice3A_124 : vector<32x14x14x128xf32> to vector<1x32x14x14x128xf32>
    %stack3A_130 = vector.shape_cast %slice3A_125 : vector<32x14x14x128xf32> to vector<1x32x14x14x128xf32>
    %stack3A_131 = vector.shape_cast %slice3A_126 : vector<32x14x14x128xf32> to vector<1x32x14x14x128xf32>
    %stack3A_132 = tpu.concatenate %stack3A_127, %stack3A_128, %stack3A_129, %stack3A_130, %stack3A_131 in 0 : vector<1x32x14x14x128xf32>, vector<1x32x14x14x128xf32>, vector<1x32x14x14x128xf32>, vector<1x32x14x14x128xf32>, vector<1x32x14x14x128xf32> -> vector<5x32x14x14x128xf32>
    %reshape3A_133 = vector.shape_cast %stack3A_132 : vector<5x32x14x14x128xf32> to vector<160x14x14x128xf32>
    %slice3A_134 = vector.extract_strided_slice %get3A_10 {offsets = [0, 160], sizes = [64, 160], strides = [1, 1]} : vector<64x800xf32> to vector<64x160xf32>
    %dot_general3A_135 = arith.constant dense<0.000000e+00> : vector<64x14x14x128xf32>
    %dot_general3A_136 = tpu.matmul %slice3A_134, %reshape3A_133, %dot_general3A_135 {dimension_numbers = #tpu.dot_dimension_numbers<[1], [0], [0], [1, 2, 3], [0, 0, 1, 1, 1, 2, 1, 3], [], []>, transpose_lhs_hint = false} : vector<64x160xf32>, vector<160x14x14x128xf32>, vector<64x14x14x128xf32> -> vector<64x14x14x128xf32>
    %add3A_137 = arith.addf %dot_general3A_121, %dot_general3A_136 : vector<64x14x14x128xf32>
    %slice3A_138 = vector.extract_strided_slice %pad3A_106 {offsets = [0, 2, 0, 0], sizes = [32, 14, 14, 128], strides = [1, 1, 1, 1]} : vector<32x18x18x128xf32> to vector<32x14x14x128xf32>
    %slice3A_139 = vector.extract_strided_slice %pad3A_106 {offsets = [0, 2, 1, 0], sizes = [32, 14, 14, 128], strides = [1, 1, 1, 1]} : vector<32x18x18x128xf32> to vector<32x14x14x128xf32>
    %slice3A_140 = vector.extract_strided_slice %pad3A_106 {offsets = [0, 2, 2, 0], sizes = [32, 14, 14, 128], strides = [1, 1, 1, 1]} : vector<32x18x18x128xf32> to vector<32x14x14x128xf32>
    %slice3A_141 = vector.extract_strided_slice %pad3A_106 {offsets = [0, 2, 3, 0], sizes = [32, 14, 14, 128], strides = [1, 1, 1, 1]} : vector<32x18x18x128xf32> to vector<32x14x14x128xf32>
    %slice3A_142 = vector.extract_strided_slice %pad3A_106 {offsets = [0, 2, 4, 0], sizes = [32, 14, 14, 128], strides = [1, 1, 1, 1]} : vector<32x18x18x128xf32> to vector<32x14x14x128xf32>
    %stack3A_143 = vector.shape_cast %slice3A_138 : vector<32x14x14x128xf32> to vector<1x32x14x14x128xf32>
    %stack3A_144 = vector.shape_cast %slice3A_139 : vector<32x14x14x128xf32> to vector<1x32x14x14x128xf32>
    %stack3A_145 = vector.shape_cast %slice3A_140 : vector<32x14x14x128xf32> to vector<1x32x14x14x128xf32>
    %stack3A_146 = vector.shape_cast %slice3A_141 : vector<32x14x14x128xf32> to vector<1x32x14x14x128xf32>
    %stack3A_147 = vector.shape_cast %slice3A_142 : vector<32x14x14x128xf32> to vector<1x32x14x14x128xf32>
    %stack3A_148 = tpu.concatenate %stack3A_143, %stack3A_144, %stack3A_145, %stack3A_146, %stack3A_147 in 0 : vector<1x32x14x14x128xf32>, vector<1x32x14x14x128xf32>, vector<1x32x14x14x128xf32>, vector<1x32x14x14x128xf32>, vector<1x32x14x14x128xf32> -> vector<5x32x14x14x128xf32>
    %reshape3A_149 = vector.shape_cast %stack3A_148 : vector<5x32x14x14x128xf32> to vector<160x14x14x128xf32>
    %slice3A_150 = vector.extract_strided_slice %get3A_10 {offsets = [0, 320], sizes = [64, 160], strides = [1, 1]} : vector<64x800xf32> to vector<64x160xf32>
    %dot_general3A_151 = arith.constant dense<0.000000e+00> : vector<64x14x14x128xf32>
    %dot_general3A_152 = tpu.matmul %slice3A_150, %reshape3A_149, %dot_general3A_151 {dimension_numbers = #tpu.dot_dimension_numbers<[1], [0], [0], [1, 2, 3], [0, 0, 1, 1, 1, 2, 1, 3], [], []>, transpose_lhs_hint = false} : vector<64x160xf32>, vector<160x14x14x128xf32>, vector<64x14x14x128xf32> -> vector<64x14x14x128xf32>
    %add3A_153 = arith.addf %add3A_137, %dot_general3A_152 : vector<64x14x14x128xf32>
    %slice3A_154 = vector.extract_strided_slice %pad3A_106 {offsets = [0, 3, 0, 0], sizes = [32, 14, 14, 128], strides = [1, 1, 1, 1]} : vector<32x18x18x128xf32> to vector<32x14x14x128xf32>
    %slice3A_155 = vector.extract_strided_slice %pad3A_106 {offsets = [0, 3, 1, 0], sizes = [32, 14, 14, 128], strides = [1, 1, 1, 1]} : vector<32x18x18x128xf32> to vector<32x14x14x128xf32>
    %slice3A_156 = vector.extract_strided_slice %pad3A_106 {offsets = [0, 3, 2, 0], sizes = [32, 14, 14, 128], strides = [1, 1, 1, 1]} : vector<32x18x18x128xf32> to vector<32x14x14x128xf32>
    %slice3A_157 = vector.extract_strided_slice %pad3A_106 {offsets = [0, 3, 3, 0], sizes = [32, 14, 14, 128], strides = [1, 1, 1, 1]} : vector<32x18x18x128xf32> to vector<32x14x14x128xf32>
    %slice3A_158 = vector.extract_strided_slice %pad3A_106 {offsets = [0, 3, 4, 0], sizes = [32, 14, 14, 128], strides = [1, 1, 1, 1]} : vector<32x18x18x128xf32> to vector<32x14x14x128xf32>
    %stack3A_159 = vector.shape_cast %slice3A_154 : vector<32x14x14x128xf32> to vector<1x32x14x14x128xf32>
    %stack3A_160 = vector.shape_cast %slice3A_155 : vector<32x14x14x128xf32> to vector<1x32x14x14x128xf32>
    %stack3A_161 = vector.shape_cast %slice3A_156 : vector<32x14x14x128xf32> to vector<1x32x14x14x128xf32>
    %stack3A_162 = vector.shape_cast %slice3A_157 : vector<32x14x14x128xf32> to vector<1x32x14x14x128xf32>
    %stack3A_163 = vector.shape_cast %slice3A_158 : vector<32x14x14x128xf32> to vector<1x32x14x14x128xf32>
    %stack3A_164 = tpu.concatenate %stack3A_159, %stack3A_160, %stack3A_161, %stack3A_162, %stack3A_163 in 0 : vector<1x32x14x14x128xf32>, vector<1x32x14x14x128xf32>, vector<1x32x14x14x128xf32>, vector<1x32x14x14x128xf32>, vector<1x32x14x14x128xf32> -> vector<5x32x14x14x128xf32>
    %reshape3A_165 = vector.shape_cast %stack3A_164 : vector<5x32x14x14x128xf32> to vector<160x14x14x128xf32>
    %slice3A_166 = vector.extract_strided_slice %get3A_10 {offsets = [0, 480], sizes = [64, 160], strides = [1, 1]} : vector<64x800xf32> to vector<64x160xf32>
    %dot_general3A_167 = arith.constant dense<0.000000e+00> : vector<64x14x14x128xf32>
    %dot_general3A_168 = tpu.matmul %slice3A_166, %reshape3A_165, %dot_general3A_167 {dimension_numbers = #tpu.dot_dimension_numbers<[1], [0], [0], [1, 2, 3], [0, 0, 1, 1, 1, 2, 1, 3], [], []>, transpose_lhs_hint = false} : vector<64x160xf32>, vector<160x14x14x128xf32>, vector<64x14x14x128xf32> -> vector<64x14x14x128xf32>
    %add3A_169 = arith.addf %add3A_153, %dot_general3A_168 : vector<64x14x14x128xf32>
    %slice3A_170 = vector.extract_strided_slice %pad3A_106 {offsets = [0, 4, 0, 0], sizes = [32, 14, 14, 128], strides = [1, 1, 1, 1]} : vector<32x18x18x128xf32> to vector<32x14x14x128xf32>
    %slice3A_171 = vector.extract_strided_slice %pad3A_106 {offsets = [0, 4, 1, 0], sizes = [32, 14, 14, 128], strides = [1, 1, 1, 1]} : vector<32x18x18x128xf32> to vector<32x14x14x128xf32>
    %slice3A_172 = vector.extract_strided_slice %pad3A_106 {offsets = [0, 4, 2, 0], sizes = [32, 14, 14, 128], strides = [1, 1, 1, 1]} : vector<32x18x18x128xf32> to vector<32x14x14x128xf32>
    %slice3A_173 = vector.extract_strided_slice %pad3A_106 {offsets = [0, 4, 3, 0], sizes = [32, 14, 14, 128], strides = [1, 1, 1, 1]} : vector<32x18x18x128xf32> to vector<32x14x14x128xf32>
    %slice3A_174 = vector.extract_strided_slice %pad3A_106 {offsets = [0, 4, 4, 0], sizes = [32, 14, 14, 128], strides = [1, 1, 1, 1]} : vector<32x18x18x128xf32> to vector<32x14x14x128xf32>
    %stack3A_175 = vector.shape_cast %slice3A_170 : vector<32x14x14x128xf32> to vector<1x32x14x14x128xf32>
    %stack3A_176 = vector.shape_cast %slice3A_171 : vector<32x14x14x128xf32> to vector<1x32x14x14x128xf32>
    %stack3A_177 = vector.shape_cast %slice3A_172 : vector<32x14x14x128xf32> to vector<1x32x14x14x128xf32>
    %stack3A_178 = vector.shape_cast %slice3A_173 : vector<32x14x14x128xf32> to vector<1x32x14x14x128xf32>
    %stack3A_179 = vector.shape_cast %slice3A_174 : vector<32x14x14x128xf32> to vector<1x32x14x14x128xf32>
    %stack3A_180 = tpu.concatenate %stack3A_175, %stack3A_176, %stack3A_177, %stack3A_178, %stack3A_179 in 0 : vector<1x32x14x14x128xf32>, vector<1x32x14x14x128xf32>, vector<1x32x14x14x128xf32>, vector<1x32x14x14x128xf32>, vector<1x32x14x14x128xf32> -> vector<5x32x14x14x128xf32>
    %reshape3A_181 = vector.shape_cast %stack3A_180 : vector<5x32x14x14x128xf32> to vector<160x14x14x128xf32>
    %slice3A_182 = vector.extract_strided_slice %get3A_10 {offsets = [0, 640], sizes = [64, 160], strides = [1, 1]} : vector<64x800xf32> to vector<64x160xf32>
    %dot_general3A_183 = arith.constant dense<0.000000e+00> : vector<64x14x14x128xf32>
    %dot_general3A_184 = tpu.matmul %slice3A_182, %reshape3A_181, %dot_general3A_183 {dimension_numbers = #tpu.dot_dimension_numbers<[1], [0], [0], [1, 2, 3], [0, 0, 1, 1, 1, 2, 1, 3], [], []>, transpose_lhs_hint = false} : vector<64x160xf32>, vector<160x14x14x128xf32>, vector<64x14x14x128xf32> -> vector<64x14x14x128xf32>
    %add3A_185 = arith.addf %add3A_169, %dot_general3A_184 : vector<64x14x14x128xf32>
    %broadcast_in_dim3A_186 = vector.shape_cast %get3A_13 : vector<64x1xf32> to vector<64x1x1x1xf32>
    %add3A_187 = vector.broadcast %broadcast_in_dim3A_186 : vector<64x1x1x1xf32> to vector<64x14x14x128xf32>
    %add3A_188 = arith.addf %add3A_185, %add3A_187 : vector<64x14x14x128xf32>
    %max3A_189 = arith.constant 0.000000e+00 : f32
    %max3A_190 = vector.broadcast %max3A_189 : f32 to vector<64x14x14x128xf32>
    %max3A_191 = arith.maximumf %add3A_188, %max3A_190 : vector<64x14x14x128xf32>
    %reshape3A_192 = vector.shape_cast %max3A_191 : vector<64x14x14x128xf32> to vector<64x14x7x2x128xf32>
    %slice3A_193 = vector.extract_strided_slice %reshape3A_192 {offsets = [0, 0, 0, 0, 0], sizes = [64, 14, 7, 1, 128], strides = [1, 1, 1, 1, 1]} : vector<64x14x7x2x128xf32> to vector<64x14x7x1x128xf32>
    %squeeze3A_194 = vector.shape_cast %slice3A_193 : vector<64x14x7x1x128xf32> to vector<64x14x7x128xf32>
    %slice3A_195 = vector.extract_strided_slice %reshape3A_192 {offsets = [0, 0, 0, 1, 0], sizes = [64, 14, 7, 1, 128], strides = [1, 1, 1, 1, 1]} : vector<64x14x7x2x128xf32> to vector<64x14x7x1x128xf32>
    %squeeze3A_196 = vector.shape_cast %slice3A_195 : vector<64x14x7x1x128xf32> to vector<64x14x7x128xf32>
    %max3A_197 = arith.maximumf %squeeze3A_194, %squeeze3A_196 : vector<64x14x7x128xf32>
    %reshape3A_198 = vector.shape_cast %max3A_197 : vector<64x14x7x128xf32> to vector<64x7x2x7x128xf32>
    %slice3A_199 = vector.extract_strided_slice %reshape3A_198 {offsets = [0, 0, 0, 0, 0], sizes = [64, 7, 1, 7, 128], strides = [1, 1, 1, 1, 1]} : vector<64x7x2x7x128xf32> to vector<64x7x1x7x128xf32>
    %squeeze3A_200 = vector.shape_cast %slice3A_199 : vector<64x7x1x7x128xf32> to vector<64x7x7x128xf32>
    %slice3A_201 = vector.extract_strided_slice %reshape3A_198 {offsets = [0, 0, 1, 0, 0], sizes = [64, 7, 1, 7, 128], strides = [1, 1, 1, 1, 1]} : vector<64x7x2x7x128xf32> to vector<64x7x1x7x128xf32>
    %squeeze3A_202 = vector.shape_cast %slice3A_201 : vector<64x7x1x7x128xf32> to vector<64x7x7x128xf32>
    %max3A_203 = arith.maximumf %squeeze3A_200, %squeeze3A_202 : vector<64x7x7x128xf32>
    %reshape3A_204 = vector.shape_cast %max3A_203 : vector<64x7x7x128xf32> to vector<3136x128xf32>
    %dot_general3A_205 = arith.constant dense<0.000000e+00> : vector<128x128xf32>
    %dot_general3A_206 = tpu.matmul %get3A_16, %reshape3A_204, %dot_general3A_205 {dimension_numbers = #tpu.dot_dimension_numbers<[1], [0], [0], [1], [0, 0, 1, 1], [], []>, transpose_lhs_hint = false} : vector<128x3136xf32>, vector<3136x128xf32>, vector<128x128xf32> -> vector<128x128xf32>
    %add3A_207 = vector.broadcast %get3A_19 : vector<128x1xf32> to vector<128x128xf32>
    %add3A_208 = arith.addf %dot_general3A_206, %add3A_207 : vector<128x128xf32>
    %max3A_209 = arith.constant 0.000000e+00 : f32
    %max3A_210 = vector.broadcast %max3A_209 : f32 to vector<128x128xf32>
    %max3A_211 = arith.maximumf %add3A_208, %max3A_210 : vector<128x128xf32>
    %dot_general3A_212 = arith.constant dense<0.000000e+00> : vector<8x128xf32>
    %dot_general3A_213 = tpu.matmul %get3A_22, %max3A_211, %dot_general3A_212 {dimension_numbers = #tpu.dot_dimension_numbers<[1], [0], [0], [1], [0, 0, 1, 1], [], []>, transpose_lhs_hint = false} : vector<8x128xf32>, vector<128x128xf32>, vector<8x128xf32> -> vector<8x128xf32>
    %add3A_214 = vector.broadcast %get3A_25 : vector<8x1xf32> to vector<8x128xf32>
    %add3A_215 = arith.addf %dot_general3A_213, %add3A_214 : vector<8x128xf32>
    %reduce_max3A = arith.constant dense<0xFF800000> : vector<128xf32>
    %reduce_max3A_216 = vector.multi_reduction <maximumf>, %add3A_215, %reduce_max3A [0] : vector<8x128xf32> to vector<128xf32>
    %broadcast_in_dim3A_217 = vector.shape_cast %reduce_max3A_216 : vector<128xf32> to vector<1x128xf32>
    %sub3A = vector.broadcast %broadcast_in_dim3A_217 : vector<1x128xf32> to vector<8x128xf32>
    %sub3A_218 = arith.subf %add3A_215, %sub3A : vector<8x128xf32>
    %exp3A = math.exp %sub3A_218 : vector<8x128xf32>
    %reduce_sum3A = arith.constant dense<0.000000e+00> : vector<128xf32>
    %reduce_sum3A_219 = vector.multi_reduction <add>, %exp3A, %reduce_sum3A [0] : vector<8x128xf32> to vector<128xf32>
    %broadcast_in_dim3A_220 = vector.shape_cast %reduce_sum3A_219 : vector<128xf32> to vector<1x128xf32>
    %div3A = vector.broadcast %broadcast_in_dim3A_220 : vector<1x128xf32> to vector<8x128xf32>
    %div3A_221 = arith.divf %exp3A, %div3A : vector<8x128xf32>
    %reduce_max3A_222 = arith.constant dense<0xFF800000> : vector<128xf32>
    %reduce_max3A_223 = vector.multi_reduction <maximumf>, %div3A_221, %reduce_max3A_222 [0] : vector<8x128xf32> to vector<128xf32>
    %broadcast_in_dim3A_224 = vector.shape_cast %reduce_max3A_223 : vector<128xf32> to vector<1x128xf32>
    %eq3A = vector.broadcast %broadcast_in_dim3A_224 : vector<1x128xf32> to vector<8x128xf32>
    %eq3A_225 = arith.cmpf oeq, %div3A_221, %eq3A : vector<8x128xf32>
    %jit3A_226 = arith.constant -1.000000e+30 : f32
    %broadcast_in_dim3A_227 = vector.broadcast %jit3A_226 : f32 to vector<8x128xf32>
    %select_n3A = arith.select %eq3A_225, %broadcast_in_dim3A_227, %div3A_221 : vector<8x128xi1>, vector<8x128xf32>
    %reduce_max3A_228 = arith.constant dense<0xFF800000> : vector<128xf32>
    %reduce_max3A_229 = vector.multi_reduction <maximumf>, %select_n3A, %reduce_max3A_228 [0] : vector<8x128xf32> to vector<128xf32>
    %broadcast_in_dim3A_230 = vector.shape_cast %reduce_max3A_229 : vector<128xf32> to vector<1x128xf32>
    %eq3A_231 = vector.broadcast %broadcast_in_dim3A_230 : vector<1x128xf32> to vector<8x128xf32>
    %eq3A_232 = arith.cmpf oeq, %select_n3A, %eq3A_231 : vector<8x128xf32>
    %add3A_233 = arith.addf %broadcast_in_dim3A_224, %broadcast_in_dim3A_230 : vector<1x128xf32>
    %add3A_234 = arith.constant 9.99999997E-7 : f32
    %add3A_235 = vector.broadcast %add3A_234 : f32 to vector<1x128xf32>
    %add3A_236 = arith.addf %add3A_233, %add3A_235 : vector<1x128xf32>
    %iota3A = tpu.iota {dimensions = array<i32: 0>} : vector<8x128xi32>
    %convert_element_type3A_237 = arith.sitofp %iota3A : vector<8x128xi32> to vector<8x128xf32>
    %jit3A_238 = arith.constant 0.000000e+00 : f32
    %broadcast_in_dim3A_239 = vector.broadcast %jit3A_238 : f32 to vector<8x128xf32>
    %select_n3A_240 = arith.select %eq3A_225, %convert_element_type3A_237, %broadcast_in_dim3A_239 : vector<8x128xi1>, vector<8x128xf32>
    %reduce_sum3A_241 = arith.constant dense<0.000000e+00> : vector<128xf32>
    %reduce_sum3A_242 = vector.multi_reduction <add>, %select_n3A_240, %reduce_sum3A_241 [0] : vector<8x128xf32> to vector<128xf32>
    %broadcast_in_dim3A_243 = vector.shape_cast %reduce_sum3A_242 : vector<128xf32> to vector<1x128xf32>
    %jit3A_244 = arith.constant 0.000000e+00 : f32
    %broadcast_in_dim3A_245 = vector.broadcast %jit3A_244 : f32 to vector<8x128xf32>
    %select_n3A_246 = arith.select %eq3A_232, %convert_element_type3A_237, %broadcast_in_dim3A_245 : vector<8x128xi1>, vector<8x128xf32>
    %reduce_sum3A_247 = arith.constant dense<0.000000e+00> : vector<128xf32>
    %reduce_sum3A_248 = vector.multi_reduction <add>, %select_n3A_246, %reduce_sum3A_247 [0] : vector<8x128xf32> to vector<128xf32>
    %broadcast_in_dim3A_249 = vector.shape_cast %reduce_sum3A_248 : vector<128xf32> to vector<1x128xf32>
    %div3A_250 = arith.divf %broadcast_in_dim3A_224, %add3A_236 : vector<1x128xf32>
    %div3A_251 = arith.divf %broadcast_in_dim3A_230, %add3A_236 : vector<1x128xf32>
    %broadcast_in_dim3A_252 = arith.constant 0.000000e+00 : f32
    %broadcast_in_dim3A_253 = vector.broadcast %broadcast_in_dim3A_252 : f32 to vector<4x128xf32>
    %concatenate3A = tpu.concatenate %broadcast_in_dim3A_243, %broadcast_in_dim3A_249, %div3A_250, %div3A_251, %broadcast_in_dim3A_253 in 0 : vector<1x128xf32>, vector<1x128xf32>, vector<1x128xf32>, vector<1x128xf32>, vector<4x128xf32> -> vector<8x128xf32>
    %swap3A = arith.constant 0 : index
    %swap3A_254 = arith.constant 0 : index
    %swap3A_255 = vector.load %arg10[%swap3A, %swap3A_254] : memref<8x128xf32, #tpu.memory_space<vmem>>, vector<8x128xf32>
    tpu.vector_store %arg10[%swap3A, %swap3A_254], %concatenate3A {strides = array<i32>} : memref<8x128xf32, #tpu.memory_space<vmem>>, vector<8x128xf32>,
    return
  }
  func.func @transform_0(%arg0: i32) -> (i32, i32) {
    %c0_i32 = arith.constant 0 : i32
    %c0_i32_0 = arith.constant 0 : i32
    return %c0_i32, %arg0 : i32, i32
  }
  func.func @transform_1(%arg0: i32) -> (i32, i32) {
    %c0_i32 = arith.constant 0 : i32
    %c0_i32_0 = arith.constant 0 : i32
    %c0_i32_1 = arith.constant 0 : i32
    return %c0_i32, %c0_i32_0 : i32, i32
  }
  func.func @transform_2(%arg0: i32) -> (i32, i32) {
    %c0_i32 = arith.constant 0 : i32
    %c0_i32_0 = arith.constant 0 : i32
    %c0_i32_1 = arith.constant 0 : i32
    return %c0_i32, %c0_i32_0 : i32, i32
  }
  func.func @transform_3(%arg0: i32) -> (i32, i32) {
    %c0_i32 = arith.constant 0 : i32
    %c0_i32_0 = arith.constant 0 : i32
    %c0_i32_1 = arith.constant 0 : i32
    return %c0_i32, %c0_i32_0 : i32, i32
  }
  func.func @transform_4(%arg0: i32) -> (i32, i32) {
    %c0_i32 = arith.constant 0 : i32
    %c0_i32_0 = arith.constant 0 : i32
    %c0_i32_1 = arith.constant 0 : i32
    return %c0_i32, %c0_i32_0 : i32, i32
  }
  func.func @transform_5(%arg0: i32) -> (i32, i32) {
    %c0_i32 = arith.constant 0 : i32
    %c0_i32_0 = arith.constant 0 : i32
    %c0_i32_1 = arith.constant 0 : i32
    return %c0_i32, %c0_i32_0 : i32, i32
  }
  func.func @transform_6(%arg0: i32) -> (i32, i32) {
    %c0_i32 = arith.constant 0 : i32
    %c0_i32_0 = arith.constant 0 : i32
    %c0_i32_1 = arith.constant 0 : i32
    return %c0_i32, %c0_i32_0 : i32, i32
  }
  func.func @transform_7(%arg0: i32) -> (i32, i32) {
    %c0_i32 = arith.constant 0 : i32
    %c0_i32_0 = arith.constant 0 : i32
    %c0_i32_1 = arith.constant 0 : i32
    return %c0_i32, %c0_i32_0 : i32, i32
  }
  func.func @transform_8(%arg0: i32) -> (i32, i32) {
    %c0_i32 = arith.constant 0 : i32
    %c0_i32_0 = arith.constant 0 : i32
    %c0_i32_1 = arith.constant 0 : i32
    return %c0_i32, %c0_i32_0 : i32, i32
  }
  func.func @transform_9(%arg0: i32) -> (i32, i32) {
    %c0_i32 = arith.constant 0 : i32
    %c0_i32_0 = arith.constant 0 : i32
    return %c0_i32, %arg0 : i32, i32
  }
}

module attributes {stable_mosaic.version = 14 : i64} {
  func.func @_dispatch_kernel(%arg0: i32, %arg1: memref<1xi32, #tpu.memory_space<smem>>, %arg2: memref<1x1x128xi32, #tpu.memory_space<vmem>>, %arg3: memref<784x1024xf32, #tpu.memory_space<vmem>>, %arg4: memref<784x128xf32, #tpu.memory_space<vmem>>) attributes {dimension_semantics = [#tpu.dimension_semantics<arbitrary>], iteration_bounds = array<i64: 24>, scalar_prefetch = 1 : i64, scratch_operands = 0 : i64, tpu.core_type = #tpu.core_type<tc>, window_params = [{transform_indices = @transform_0, window_bounds = array<i64: 1, 1, 128>}, {pipeline_mode = #tpu.pipeline_mode<synchronous>, transform_indices = @transform_1, window_bounds = array<i64: 784, 1024>}, {transform_indices = @transform_2, window_bounds = array<i64: 784, 128>}]} {
    %get3A = arith.constant 0 : index
    %get3A_0 = memref.load %arg1[%get3A] : memref<1xi32, #tpu.memory_space<smem>>
    %lt3A = arith.cmpi slt, %arg0, %get3A_0 : i32
    %convert_element_type3A = arith.extui %lt3A : i1 to i32
    %cond3A = arith.constant 0 : i32
    %cond3A_1 = arith.cmpi ne, %convert_element_type3A, %cond3A : i32
    scf.if %cond3A_1 {
      %get3A_7 = arith.constant 0 : index
      %get3A_8 = arith.constant 0 : index
      %get3A_9 = arith.constant 0 : index
      %get3A_10 = vector.load %arg2[%get3A_7, %get3A_8, %get3A_9] : memref<1x1x128xi32, #tpu.memory_space<vmem>>, vector<1x1x128xi32>
      %get3A_11 = vector.shape_cast %get3A_10 : vector<1x1x128xi32> to vector<1x128xi32>
      %iota3A = tpu.iota {dimensions = array<i32: 0>} : vector<1024x128xi32>
      %eq3A = vector.broadcast %get3A_11 : vector<1x128xi32> to vector<1024x128xi32>
      %eq3A_12 = arith.cmpi eq, %iota3A, %eq3A : vector<1024x128xi32>
      %jit3A = arith.constant 1.000000e+00 : f32
      %jit3A_13 = arith.constant 0.000000e+00 : f32
      %broadcast_in_dim3A = vector.broadcast %jit3A : f32 to vector<1024x128xf32>
      %broadcast_in_dim3A_14 = vector.broadcast %jit3A_13 : f32 to vector<1024x128xf32>
      %select_n3A = arith.select %eq3A_12, %broadcast_in_dim3A, %broadcast_in_dim3A_14 : vector<1024x128xi1>, vector<1024x128xf32>
      %get3A_15 = arith.constant 0 : index
      %get3A_16 = arith.constant 0 : index
      %get3A_17 = vector.load %arg3[%get3A_15, %get3A_16] : memref<784x1024xf32, #tpu.memory_space<vmem>>, vector<784x1024xf32>
      %dot_general3A = arith.constant dense<0.000000e+00> : vector<784x128xf32>
      %dot_general3A_18 = tpu.matmul %get3A_17, %select_n3A, %dot_general3A {dimension_numbers = #tpu.dot_dimension_numbers<[1], [0], [0], [1], [0, 0, 1, 1], [], []>, transpose_lhs_hint = false} : vector<784x1024xf32>, vector<1024x128xf32>, vector<784x128xf32> -> vector<784x128xf32>
      %swap3A = arith.constant 0 : index
      %swap3A_19 = arith.constant 0 : index
      %swap3A_20 = vector.load %arg4[%swap3A, %swap3A_19] : memref<784x128xf32, #tpu.memory_space<vmem>>, vector<784x128xf32>
      tpu.vector_store %arg4[%swap3A, %swap3A_19], %dot_general3A_18 {strides = array<i32>} : memref<784x128xf32, #tpu.memory_space<vmem>>, vector<784x128xf32>,
    } else {
    }
    %get3A_2 = arith.constant 0 : index
    %get3A_3 = memref.load %arg1[%get3A_2] : memref<1xi32, #tpu.memory_space<smem>>
    %ge3A = arith.cmpi sge, %arg0, %get3A_3 : i32
    %convert_element_type3A_4 = arith.extui %ge3A : i1 to i32
    %cond3A_5 = arith.constant 0 : i32
    %cond3A_6 = arith.cmpi ne, %convert_element_type3A_4, %cond3A_5 : i32
    scf.if %cond3A_6 {
      %broadcast_in_dim3A = arith.constant 0.000000e+00 : f32
      %broadcast_in_dim3A_7 = vector.broadcast %broadcast_in_dim3A : f32 to vector<784x128xf32>
      %swap3A = arith.constant 0 : index
      %swap3A_8 = arith.constant 0 : index
      %swap3A_9 = vector.load %arg4[%swap3A, %swap3A_8] : memref<784x128xf32, #tpu.memory_space<vmem>>, vector<784x128xf32>
      tpu.vector_store %arg4[%swap3A, %swap3A_8], %broadcast_in_dim3A_7 {strides = array<i32>} : memref<784x128xf32, #tpu.memory_space<vmem>>, vector<784x128xf32>,
    } else {
    }
    return
  }
  func.func @transform_0(%arg0: i32, %arg1: memref<1xi32, #tpu.memory_space<smem>>) -> (i32, i32, i32) {
    %c0_i32 = arith.constant 0 : i32
    %c0_i32_0 = arith.constant 0 : i32
    %c0_i32_1 = arith.constant 0 : i32
    return %arg0, %c0_i32, %c0_i32_0 : i32, i32, i32
  }
  func.func @transform_1(%arg0: i32, %arg1: memref<1xi32, #tpu.memory_space<smem>>) -> (i32, i32) {
    %c0_i32 = arith.constant 0 : i32
    %c0_i32_0 = arith.constant 0 : i32
    %c0_i32_1 = arith.constant 0 : i32
    return %c0_i32, %c0_i32_0 : i32, i32
  }
  func.func @transform_2(%arg0: i32, %arg1: memref<1xi32, #tpu.memory_space<smem>>) -> (i32, i32) {
    %c0_i32 = arith.constant 0 : i32
    %c0_i32_0 = arith.constant 0 : i32
    return %c0_i32, %arg0 : i32, i32
  }
}

module attributes {stable_mosaic.version = 14 : i64} {
  func.func @_expert_kernel(%arg0: i32, %arg1: memref<24xi32, #tpu.memory_space<smem>>, %arg2: memref<1xi32, #tpu.memory_space<smem>>, %arg3: memref<784x128xf32, #tpu.memory_space<vmem>>, %arg4: memref<1x32x25xf32, #tpu.memory_space<vmem>>, %arg5: memref<1x32x1xf32, #tpu.memory_space<vmem>>, %arg6: memref<1x64x800xf32, #tpu.memory_space<vmem>>, %arg7: memref<1x64x1xf32, #tpu.memory_space<vmem>>, %arg8: memref<1x128x3136xf32, #tpu.memory_space<vmem>>, %arg9: memref<1x128x1xf32, #tpu.memory_space<vmem>>, %arg10: memref<1x16x128xf32, #tpu.memory_space<vmem>>, %arg11: memref<1x16x1xf32, #tpu.memory_space<vmem>>, %arg12: memref<16x128xf32, #tpu.memory_space<vmem>>) attributes {dimension_semantics = [#tpu.dimension_semantics<arbitrary>], iteration_bounds = array<i64: 24>, scalar_prefetch = 2 : i64, scratch_operands = 0 : i64, tpu.core_type = #tpu.core_type<tc>, window_params = [{transform_indices = @transform_0, window_bounds = array<i64: 784, 128>}, {transform_indices = @transform_1, window_bounds = array<i64: 1, 32, 25>}, {transform_indices = @transform_2, window_bounds = array<i64: 1, 32, 1>}, {transform_indices = @transform_3, window_bounds = array<i64: 1, 64, 800>}, {transform_indices = @transform_4, window_bounds = array<i64: 1, 64, 1>}, {transform_indices = @transform_5, window_bounds = array<i64: 1, 128, 3136>}, {transform_indices = @transform_6, window_bounds = array<i64: 1, 128, 1>}, {transform_indices = @transform_7, window_bounds = array<i64: 1, 16, 128>}, {transform_indices = @transform_8, window_bounds = array<i64: 1, 16, 1>}, {transform_indices = @transform_9, window_bounds = array<i64: 16, 128>}]} {
    %get3A = arith.constant 0 : index
    %get3A_0 = memref.load %arg2[%get3A] : memref<1xi32, #tpu.memory_space<smem>>
    %lt3A = arith.cmpi slt, %arg0, %get3A_0 : i32
    %convert_element_type3A = arith.extui %lt3A : i1 to i32
    %cond3A = arith.constant 0 : i32
    %cond3A_1 = arith.cmpi ne, %convert_element_type3A, %cond3A : i32
    scf.if %cond3A_1 {
      %get3A_7 = arith.constant 0 : index
      %get3A_8 = arith.constant 0 : index
      %get3A_9 = vector.load %arg3[%get3A_7, %get3A_8] : memref<784x128xf32, #tpu.memory_space<vmem>>, vector<784x128xf32>
      %get3A_10 = arith.constant 0 : index
      %get3A_11 = arith.constant 0 : index
      %get3A_12 = arith.constant 0 : index
      %get3A_13 = vector.load %arg4[%get3A_10, %get3A_11, %get3A_12] : memref<1x32x25xf32, #tpu.memory_space<vmem>>, vector<1x32x25xf32>
      %get3A_14 = vector.shape_cast %get3A_13 : vector<1x32x25xf32> to vector<32x25xf32>
      %get3A_15 = arith.constant 0 : index
      %get3A_16 = arith.constant 0 : index
      %get3A_17 = arith.constant 0 : index
      %get3A_18 = vector.load %arg5[%get3A_15, %get3A_16, %get3A_17] : memref<1x32x1xf32, #tpu.memory_space<vmem>>, vector<1x32x1xf32>
      %get3A_19 = vector.shape_cast %get3A_18 : vector<1x32x1xf32> to vector<32x1xf32>
      %get3A_20 = arith.constant 0 : index
      %get3A_21 = arith.constant 0 : index
      %get3A_22 = arith.constant 0 : index
      %get3A_23 = vector.load %arg6[%get3A_20, %get3A_21, %get3A_22] : memref<1x64x800xf32, #tpu.memory_space<vmem>>, vector<1x64x800xf32>
      %get3A_24 = vector.shape_cast %get3A_23 : vector<1x64x800xf32> to vector<64x800xf32>
      %get3A_25 = arith.constant 0 : index
      %get3A_26 = arith.constant 0 : index
      %get3A_27 = arith.constant 0 : index
      %get3A_28 = vector.load %arg7[%get3A_25, %get3A_26, %get3A_27] : memref<1x64x1xf32, #tpu.memory_space<vmem>>, vector<1x64x1xf32>
      %get3A_29 = vector.shape_cast %get3A_28 : vector<1x64x1xf32> to vector<64x1xf32>
      %get3A_30 = arith.constant 0 : index
      %get3A_31 = arith.constant 0 : index
      %get3A_32 = arith.constant 0 : index
      %get3A_33 = vector.load %arg8[%get3A_30, %get3A_31, %get3A_32] : memref<1x128x3136xf32, #tpu.memory_space<vmem>>, vector<1x128x3136xf32>
      %get3A_34 = vector.shape_cast %get3A_33 : vector<1x128x3136xf32> to vector<128x3136xf32>
      %get3A_35 = arith.constant 0 : index
      %get3A_36 = arith.constant 0 : index
      %get3A_37 = arith.constant 0 : index
      %get3A_38 = vector.load %arg9[%get3A_35, %get3A_36, %get3A_37] : memref<1x128x1xf32, #tpu.memory_space<vmem>>, vector<1x128x1xf32>
      %get3A_39 = vector.shape_cast %get3A_38 : vector<1x128x1xf32> to vector<128x1xf32>
      %get3A_40 = arith.constant 0 : index
      %get3A_41 = arith.constant 0 : index
      %get3A_42 = arith.constant 0 : index
      %get3A_43 = vector.load %arg10[%get3A_40, %get3A_41, %get3A_42] : memref<1x16x128xf32, #tpu.memory_space<vmem>>, vector<1x16x128xf32>
      %get3A_44 = vector.shape_cast %get3A_43 : vector<1x16x128xf32> to vector<16x128xf32>
      %get3A_45 = arith.constant 0 : index
      %get3A_46 = arith.constant 0 : index
      %get3A_47 = arith.constant 0 : index
      %get3A_48 = vector.load %arg11[%get3A_45, %get3A_46, %get3A_47] : memref<1x16x1xf32, #tpu.memory_space<vmem>>, vector<1x16x1xf32>
      %get3A_49 = vector.shape_cast %get3A_48 : vector<1x16x1xf32> to vector<16x1xf32>
      %reshape3A = vector.shape_cast %get3A_9 : vector<784x128xf32> to vector<28x28x128xf32>
      %jit3A = arith.constant 0 : i32
      %convert_element_type3A_50 = arith.sitofp %jit3A : i32 to f32
      %pad3A = vector.broadcast %convert_element_type3A_50 : f32 to vector<2x28x128xf32>
      %pad3A_51 = tpu.concatenate %pad3A, %reshape3A in 0 : vector<2x28x128xf32>, vector<28x28x128xf32> -> vector<30x28x128xf32>
      %pad3A_52 = vector.broadcast %convert_element_type3A_50 : f32 to vector<2x28x128xf32>
      %pad3A_53 = tpu.concatenate %pad3A_51, %pad3A_52 in 0 : vector<30x28x128xf32>, vector<2x28x128xf32> -> vector<32x28x128xf32>
      %pad3A_54 = vector.broadcast %convert_element_type3A_50 : f32 to vector<32x2x128xf32>
      %pad3A_55 = tpu.concatenate %pad3A_54, %pad3A_53 in 1 : vector<32x2x128xf32>, vector<32x28x128xf32> -> vector<32x30x128xf32>
      %pad3A_56 = vector.broadcast %convert_element_type3A_50 : f32 to vector<32x2x128xf32>
      %pad3A_57 = tpu.concatenate %pad3A_55, %pad3A_56 in 1 : vector<32x30x128xf32>, vector<32x2x128xf32> -> vector<32x32x128xf32>
      %slice3A = vector.extract_strided_slice %pad3A_57 {offsets = [0, 0, 0], sizes = [28, 28, 128], strides = [1, 1, 1]} : vector<32x32x128xf32> to vector<28x28x128xf32>
      %slice3A_58 = vector.extract_strided_slice %pad3A_57 {offsets = [0, 1, 0], sizes = [28, 28, 128], strides = [1, 1, 1]} : vector<32x32x128xf32> to vector<28x28x128xf32>
      %slice3A_59 = vector.extract_strided_slice %pad3A_57 {offsets = [0, 2, 0], sizes = [28, 28, 128], strides = [1, 1, 1]} : vector<32x32x128xf32> to vector<28x28x128xf32>
      %slice3A_60 = vector.extract_strided_slice %pad3A_57 {offsets = [0, 3, 0], sizes = [28, 28, 128], strides = [1, 1, 1]} : vector<32x32x128xf32> to vector<28x28x128xf32>
      %slice3A_61 = vector.extract_strided_slice %pad3A_57 {offsets = [0, 4, 0], sizes = [28, 28, 128], strides = [1, 1, 1]} : vector<32x32x128xf32> to vector<28x28x128xf32>
      %slice3A_62 = vector.extract_strided_slice %pad3A_57 {offsets = [1, 0, 0], sizes = [28, 28, 128], strides = [1, 1, 1]} : vector<32x32x128xf32> to vector<28x28x128xf32>
      %slice3A_63 = vector.extract_strided_slice %pad3A_57 {offsets = [1, 1, 0], sizes = [28, 28, 128], strides = [1, 1, 1]} : vector<32x32x128xf32> to vector<28x28x128xf32>
      %slice3A_64 = vector.extract_strided_slice %pad3A_57 {offsets = [1, 2, 0], sizes = [28, 28, 128], strides = [1, 1, 1]} : vector<32x32x128xf32> to vector<28x28x128xf32>
      %slice3A_65 = vector.extract_strided_slice %pad3A_57 {offsets = [1, 3, 0], sizes = [28, 28, 128], strides = [1, 1, 1]} : vector<32x32x128xf32> to vector<28x28x128xf32>
      %slice3A_66 = vector.extract_strided_slice %pad3A_57 {offsets = [1, 4, 0], sizes = [28, 28, 128], strides = [1, 1, 1]} : vector<32x32x128xf32> to vector<28x28x128xf32>
      %slice3A_67 = vector.extract_strided_slice %pad3A_57 {offsets = [2, 0, 0], sizes = [28, 28, 128], strides = [1, 1, 1]} : vector<32x32x128xf32> to vector<28x28x128xf32>
      %slice3A_68 = vector.extract_strided_slice %pad3A_57 {offsets = [2, 1, 0], sizes = [28, 28, 128], strides = [1, 1, 1]} : vector<32x32x128xf32> to vector<28x28x128xf32>
      %slice3A_69 = vector.extract_strided_slice %pad3A_57 {offsets = [2, 2, 0], sizes = [28, 28, 128], strides = [1, 1, 1]} : vector<32x32x128xf32> to vector<28x28x128xf32>
      %slice3A_70 = vector.extract_strided_slice %pad3A_57 {offsets = [2, 3, 0], sizes = [28, 28, 128], strides = [1, 1, 1]} : vector<32x32x128xf32> to vector<28x28x128xf32>
      %slice3A_71 = vector.extract_strided_slice %pad3A_57 {offsets = [2, 4, 0], sizes = [28, 28, 128], strides = [1, 1, 1]} : vector<32x32x128xf32> to vector<28x28x128xf32>
      %slice3A_72 = vector.extract_strided_slice %pad3A_57 {offsets = [3, 0, 0], sizes = [28, 28, 128], strides = [1, 1, 1]} : vector<32x32x128xf32> to vector<28x28x128xf32>
      %slice3A_73 = vector.extract_strided_slice %pad3A_57 {offsets = [3, 1, 0], sizes = [28, 28, 128], strides = [1, 1, 1]} : vector<32x32x128xf32> to vector<28x28x128xf32>
      %slice3A_74 = vector.extract_strided_slice %pad3A_57 {offsets = [3, 2, 0], sizes = [28, 28, 128], strides = [1, 1, 1]} : vector<32x32x128xf32> to vector<28x28x128xf32>
      %slice3A_75 = vector.extract_strided_slice %pad3A_57 {offsets = [3, 3, 0], sizes = [28, 28, 128], strides = [1, 1, 1]} : vector<32x32x128xf32> to vector<28x28x128xf32>
      %slice3A_76 = vector.extract_strided_slice %pad3A_57 {offsets = [3, 4, 0], sizes = [28, 28, 128], strides = [1, 1, 1]} : vector<32x32x128xf32> to vector<28x28x128xf32>
      %slice3A_77 = vector.extract_strided_slice %pad3A_57 {offsets = [4, 0, 0], sizes = [28, 28, 128], strides = [1, 1, 1]} : vector<32x32x128xf32> to vector<28x28x128xf32>
      %slice3A_78 = vector.extract_strided_slice %pad3A_57 {offsets = [4, 1, 0], sizes = [28, 28, 128], strides = [1, 1, 1]} : vector<32x32x128xf32> to vector<28x28x128xf32>
      %slice3A_79 = vector.extract_strided_slice %pad3A_57 {offsets = [4, 2, 0], sizes = [28, 28, 128], strides = [1, 1, 1]} : vector<32x32x128xf32> to vector<28x28x128xf32>
      %slice3A_80 = vector.extract_strided_slice %pad3A_57 {offsets = [4, 3, 0], sizes = [28, 28, 128], strides = [1, 1, 1]} : vector<32x32x128xf32> to vector<28x28x128xf32>
      %slice3A_81 = vector.extract_strided_slice %pad3A_57 {offsets = [4, 4, 0], sizes = [28, 28, 128], strides = [1, 1, 1]} : vector<32x32x128xf32> to vector<28x28x128xf32>
      %stack3A = vector.shape_cast %slice3A : vector<28x28x128xf32> to vector<1x28x28x128xf32>
      %stack3A_82 = vector.shape_cast %slice3A_58 : vector<28x28x128xf32> to vector<1x28x28x128xf32>
      %stack3A_83 = vector.shape_cast %slice3A_59 : vector<28x28x128xf32> to vector<1x28x28x128xf32>
      %stack3A_84 = vector.shape_cast %slice3A_60 : vector<28x28x128xf32> to vector<1x28x28x128xf32>
      %stack3A_85 = vector.shape_cast %slice3A_61 : vector<28x28x128xf32> to vector<1x28x28x128xf32>
      %stack3A_86 = vector.shape_cast %slice3A_62 : vector<28x28x128xf32> to vector<1x28x28x128xf32>
      %stack3A_87 = vector.shape_cast %slice3A_63 : vector<28x28x128xf32> to vector<1x28x28x128xf32>
      %stack3A_88 = vector.shape_cast %slice3A_64 : vector<28x28x128xf32> to vector<1x28x28x128xf32>
      %stack3A_89 = vector.shape_cast %slice3A_65 : vector<28x28x128xf32> to vector<1x28x28x128xf32>
      %stack3A_90 = vector.shape_cast %slice3A_66 : vector<28x28x128xf32> to vector<1x28x28x128xf32>
      %stack3A_91 = vector.shape_cast %slice3A_67 : vector<28x28x128xf32> to vector<1x28x28x128xf32>
      %stack3A_92 = vector.shape_cast %slice3A_68 : vector<28x28x128xf32> to vector<1x28x28x128xf32>
      %stack3A_93 = vector.shape_cast %slice3A_69 : vector<28x28x128xf32> to vector<1x28x28x128xf32>
      %stack3A_94 = vector.shape_cast %slice3A_70 : vector<28x28x128xf32> to vector<1x28x28x128xf32>
      %stack3A_95 = vector.shape_cast %slice3A_71 : vector<28x28x128xf32> to vector<1x28x28x128xf32>
      %stack3A_96 = vector.shape_cast %slice3A_72 : vector<28x28x128xf32> to vector<1x28x28x128xf32>
      %stack3A_97 = vector.shape_cast %slice3A_73 : vector<28x28x128xf32> to vector<1x28x28x128xf32>
      %stack3A_98 = vector.shape_cast %slice3A_74 : vector<28x28x128xf32> to vector<1x28x28x128xf32>
      %stack3A_99 = vector.shape_cast %slice3A_75 : vector<28x28x128xf32> to vector<1x28x28x128xf32>
      %stack3A_100 = vector.shape_cast %slice3A_76 : vector<28x28x128xf32> to vector<1x28x28x128xf32>
      %stack3A_101 = vector.shape_cast %slice3A_77 : vector<28x28x128xf32> to vector<1x28x28x128xf32>
      %stack3A_102 = vector.shape_cast %slice3A_78 : vector<28x28x128xf32> to vector<1x28x28x128xf32>
      %stack3A_103 = vector.shape_cast %slice3A_79 : vector<28x28x128xf32> to vector<1x28x28x128xf32>
      %stack3A_104 = vector.shape_cast %slice3A_80 : vector<28x28x128xf32> to vector<1x28x28x128xf32>
      %stack3A_105 = vector.shape_cast %slice3A_81 : vector<28x28x128xf32> to vector<1x28x28x128xf32>
      %stack3A_106 = tpu.concatenate %stack3A, %stack3A_82, %stack3A_83, %stack3A_84, %stack3A_85, %stack3A_86, %stack3A_87, %stack3A_88, %stack3A_89, %stack3A_90, %stack3A_91, %stack3A_92, %stack3A_93, %stack3A_94, %stack3A_95, %stack3A_96, %stack3A_97, %stack3A_98, %stack3A_99, %stack3A_100, %stack3A_101, %stack3A_102, %stack3A_103, %stack3A_104, %stack3A_105 in 0 : vector<1x28x28x128xf32>, vector<1x28x28x128xf32>, vector<1x28x28x128xf32>, vector<1x28x28x128xf32>, vector<1x28x28x128xf32>, vector<1x28x28x128xf32>, vector<1x28x28x128xf32>, vector<1x28x28x128xf32>, vector<1x28x28x128xf32>, vector<1x28x28x128xf32>, vector<1x28x28x128xf32>, vector<1x28x28x128xf32>, vector<1x28x28x128xf32>, vector<1x28x28x128xf32>, vector<1x28x28x128xf32>, vector<1x28x28x128xf32>, vector<1x28x28x128xf32>, vector<1x28x28x128xf32>, vector<1x28x28x128xf32>, vector<1x28x28x128xf32>, vector<1x28x28x128xf32>, vector<1x28x28x128xf32>, vector<1x28x28x128xf32>, vector<1x28x28x128xf32>, vector<1x28x28x128xf32> -> vector<25x28x28x128xf32>
      %dot_general3A = arith.constant dense<0.000000e+00> : vector<32x28x28x128xf32>
      %dot_general3A_107 = tpu.matmul %get3A_14, %stack3A_106, %dot_general3A {dimension_numbers = #tpu.dot_dimension_numbers<[1], [0], [0], [1, 2, 3], [0, 0, 1, 1, 1, 2, 1, 3], [], []>, transpose_lhs_hint = false} : vector<32x25xf32>, vector<25x28x28x128xf32>, vector<32x28x28x128xf32> -> vector<32x28x28x128xf32>
      %broadcast_in_dim3A = vector.shape_cast %get3A_19 : vector<32x1xf32> to vector<32x1x1x1xf32>
      %add3A = vector.broadcast %broadcast_in_dim3A : vector<32x1x1x1xf32> to vector<32x28x28x128xf32>
      %add3A_108 = arith.addf %dot_general3A_107, %add3A : vector<32x28x28x128xf32>
      %max3A = arith.constant 0.000000e+00 : f32
      %max3A_109 = vector.broadcast %max3A : f32 to vector<32x28x28x128xf32>
      %max3A_110 = arith.maximumf %add3A_108, %max3A_109 : vector<32x28x28x128xf32>
      %reshape3A_111 = vector.shape_cast %max3A_110 : vector<32x28x28x128xf32> to vector<32x28x14x2x128xf32>
      %slice3A_112 = vector.extract_strided_slice %reshape3A_111 {offsets = [0, 0, 0, 0, 0], sizes = [32, 28, 14, 1, 128], strides = [1, 1, 1, 1, 1]} : vector<32x28x14x2x128xf32> to vector<32x28x14x1x128xf32>
      %squeeze3A = vector.shape_cast %slice3A_112 : vector<32x28x14x1x128xf32> to vector<32x28x14x128xf32>
      %slice3A_113 = vector.extract_strided_slice %reshape3A_111 {offsets = [0, 0, 0, 1, 0], sizes = [32, 28, 14, 1, 128], strides = [1, 1, 1, 1, 1]} : vector<32x28x14x2x128xf32> to vector<32x28x14x1x128xf32>
      %squeeze3A_114 = vector.shape_cast %slice3A_113 : vector<32x28x14x1x128xf32> to vector<32x28x14x128xf32>
      %max3A_115 = arith.maximumf %squeeze3A, %squeeze3A_114 : vector<32x28x14x128xf32>
      %reshape3A_116 = vector.shape_cast %max3A_115 : vector<32x28x14x128xf32> to vector<32x14x2x14x128xf32>
      %slice3A_117 = vector.extract_strided_slice %reshape3A_116 {offsets = [0, 0, 0, 0, 0], sizes = [32, 14, 1, 14, 128], strides = [1, 1, 1, 1, 1]} : vector<32x14x2x14x128xf32> to vector<32x14x1x14x128xf32>
      %squeeze3A_118 = vector.shape_cast %slice3A_117 : vector<32x14x1x14x128xf32> to vector<32x14x14x128xf32>
      %slice3A_119 = vector.extract_strided_slice %reshape3A_116 {offsets = [0, 0, 1, 0, 0], sizes = [32, 14, 1, 14, 128], strides = [1, 1, 1, 1, 1]} : vector<32x14x2x14x128xf32> to vector<32x14x1x14x128xf32>
      %squeeze3A_120 = vector.shape_cast %slice3A_119 : vector<32x14x1x14x128xf32> to vector<32x14x14x128xf32>
      %max3A_121 = arith.maximumf %squeeze3A_118, %squeeze3A_120 : vector<32x14x14x128xf32>
      %jit3A_122 = arith.constant 0 : i32
      %convert_element_type3A_123 = arith.sitofp %jit3A_122 : i32 to f32
      %pad3A_124 = vector.broadcast %convert_element_type3A_123 : f32 to vector<32x2x14x128xf32>
      %pad3A_125 = tpu.concatenate %pad3A_124, %max3A_121 in 1 : vector<32x2x14x128xf32>, vector<32x14x14x128xf32> -> vector<32x16x14x128xf32>
      %pad3A_126 = vector.broadcast %convert_element_type3A_123 : f32 to vector<32x2x14x128xf32>
      %pad3A_127 = tpu.concatenate %pad3A_125, %pad3A_126 in 1 : vector<32x16x14x128xf32>, vector<32x2x14x128xf32> -> vector<32x18x14x128xf32>
      %pad3A_128 = vector.broadcast %convert_element_type3A_123 : f32 to vector<32x18x2x128xf32>
      %pad3A_129 = tpu.concatenate %pad3A_128, %pad3A_127 in 2 : vector<32x18x2x128xf32>, vector<32x18x14x128xf32> -> vector<32x18x16x128xf32>
      %pad3A_130 = vector.broadcast %convert_element_type3A_123 : f32 to vector<32x18x2x128xf32>
      %pad3A_131 = tpu.concatenate %pad3A_129, %pad3A_130 in 2 : vector<32x18x16x128xf32>, vector<32x18x2x128xf32> -> vector<32x18x18x128xf32>
      %slice3A_132 = vector.extract_strided_slice %pad3A_131 {offsets = [0, 0, 0, 0], sizes = [32, 14, 14, 128], strides = [1, 1, 1, 1]} : vector<32x18x18x128xf32> to vector<32x14x14x128xf32>
      %slice3A_133 = vector.extract_strided_slice %pad3A_131 {offsets = [0, 0, 1, 0], sizes = [32, 14, 14, 128], strides = [1, 1, 1, 1]} : vector<32x18x18x128xf32> to vector<32x14x14x128xf32>
      %slice3A_134 = vector.extract_strided_slice %pad3A_131 {offsets = [0, 0, 2, 0], sizes = [32, 14, 14, 128], strides = [1, 1, 1, 1]} : vector<32x18x18x128xf32> to vector<32x14x14x128xf32>
      %slice3A_135 = vector.extract_strided_slice %pad3A_131 {offsets = [0, 0, 3, 0], sizes = [32, 14, 14, 128], strides = [1, 1, 1, 1]} : vector<32x18x18x128xf32> to vector<32x14x14x128xf32>
      %slice3A_136 = vector.extract_strided_slice %pad3A_131 {offsets = [0, 0, 4, 0], sizes = [32, 14, 14, 128], strides = [1, 1, 1, 1]} : vector<32x18x18x128xf32> to vector<32x14x14x128xf32>
      %stack3A_137 = vector.shape_cast %slice3A_132 : vector<32x14x14x128xf32> to vector<1x32x14x14x128xf32>
      %stack3A_138 = vector.shape_cast %slice3A_133 : vector<32x14x14x128xf32> to vector<1x32x14x14x128xf32>
      %stack3A_139 = vector.shape_cast %slice3A_134 : vector<32x14x14x128xf32> to vector<1x32x14x14x128xf32>
      %stack3A_140 = vector.shape_cast %slice3A_135 : vector<32x14x14x128xf32> to vector<1x32x14x14x128xf32>
      %stack3A_141 = vector.shape_cast %slice3A_136 : vector<32x14x14x128xf32> to vector<1x32x14x14x128xf32>
      %stack3A_142 = tpu.concatenate %stack3A_137, %stack3A_138, %stack3A_139, %stack3A_140, %stack3A_141 in 0 : vector<1x32x14x14x128xf32>, vector<1x32x14x14x128xf32>, vector<1x32x14x14x128xf32>, vector<1x32x14x14x128xf32>, vector<1x32x14x14x128xf32> -> vector<5x32x14x14x128xf32>
      %reshape3A_143 = vector.shape_cast %stack3A_142 : vector<5x32x14x14x128xf32> to vector<160x14x14x128xf32>
      %slice3A_144 = vector.extract_strided_slice %get3A_24 {offsets = [0, 0], sizes = [64, 160], strides = [1, 1]} : vector<64x800xf32> to vector<64x160xf32>
      %dot_general3A_145 = arith.constant dense<0.000000e+00> : vector<64x14x14x128xf32>
      %dot_general3A_146 = tpu.matmul %slice3A_144, %reshape3A_143, %dot_general3A_145 {dimension_numbers = #tpu.dot_dimension_numbers<[1], [0], [0], [1, 2, 3], [0, 0, 1, 1, 1, 2, 1, 3], [], []>, transpose_lhs_hint = false} : vector<64x160xf32>, vector<160x14x14x128xf32>, vector<64x14x14x128xf32> -> vector<64x14x14x128xf32>
      %slice3A_147 = vector.extract_strided_slice %pad3A_131 {offsets = [0, 1, 0, 0], sizes = [32, 14, 14, 128], strides = [1, 1, 1, 1]} : vector<32x18x18x128xf32> to vector<32x14x14x128xf32>
      %slice3A_148 = vector.extract_strided_slice %pad3A_131 {offsets = [0, 1, 1, 0], sizes = [32, 14, 14, 128], strides = [1, 1, 1, 1]} : vector<32x18x18x128xf32> to vector<32x14x14x128xf32>
      %slice3A_149 = vector.extract_strided_slice %pad3A_131 {offsets = [0, 1, 2, 0], sizes = [32, 14, 14, 128], strides = [1, 1, 1, 1]} : vector<32x18x18x128xf32> to vector<32x14x14x128xf32>
      %slice3A_150 = vector.extract_strided_slice %pad3A_131 {offsets = [0, 1, 3, 0], sizes = [32, 14, 14, 128], strides = [1, 1, 1, 1]} : vector<32x18x18x128xf32> to vector<32x14x14x128xf32>
      %slice3A_151 = vector.extract_strided_slice %pad3A_131 {offsets = [0, 1, 4, 0], sizes = [32, 14, 14, 128], strides = [1, 1, 1, 1]} : vector<32x18x18x128xf32> to vector<32x14x14x128xf32>
      %stack3A_152 = vector.shape_cast %slice3A_147 : vector<32x14x14x128xf32> to vector<1x32x14x14x128xf32>
      %stack3A_153 = vector.shape_cast %slice3A_148 : vector<32x14x14x128xf32> to vector<1x32x14x14x128xf32>
      %stack3A_154 = vector.shape_cast %slice3A_149 : vector<32x14x14x128xf32> to vector<1x32x14x14x128xf32>
      %stack3A_155 = vector.shape_cast %slice3A_150 : vector<32x14x14x128xf32> to vector<1x32x14x14x128xf32>
      %stack3A_156 = vector.shape_cast %slice3A_151 : vector<32x14x14x128xf32> to vector<1x32x14x14x128xf32>
      %stack3A_157 = tpu.concatenate %stack3A_152, %stack3A_153, %stack3A_154, %stack3A_155, %stack3A_156 in 0 : vector<1x32x14x14x128xf32>, vector<1x32x14x14x128xf32>, vector<1x32x14x14x128xf32>, vector<1x32x14x14x128xf32>, vector<1x32x14x14x128xf32> -> vector<5x32x14x14x128xf32>
      %reshape3A_158 = vector.shape_cast %stack3A_157 : vector<5x32x14x14x128xf32> to vector<160x14x14x128xf32>
      %slice3A_159 = vector.extract_strided_slice %get3A_24 {offsets = [0, 160], sizes = [64, 160], strides = [1, 1]} : vector<64x800xf32> to vector<64x160xf32>
      %dot_general3A_160 = arith.constant dense<0.000000e+00> : vector<64x14x14x128xf32>
      %dot_general3A_161 = tpu.matmul %slice3A_159, %reshape3A_158, %dot_general3A_160 {dimension_numbers = #tpu.dot_dimension_numbers<[1], [0], [0], [1, 2, 3], [0, 0, 1, 1, 1, 2, 1, 3], [], []>, transpose_lhs_hint = false} : vector<64x160xf32>, vector<160x14x14x128xf32>, vector<64x14x14x128xf32> -> vector<64x14x14x128xf32>
      %add3A_162 = arith.addf %dot_general3A_146, %dot_general3A_161 : vector<64x14x14x128xf32>
      %slice3A_163 = vector.extract_strided_slice %pad3A_131 {offsets = [0, 2, 0, 0], sizes = [32, 14, 14, 128], strides = [1, 1, 1, 1]} : vector<32x18x18x128xf32> to vector<32x14x14x128xf32>
      %slice3A_164 = vector.extract_strided_slice %pad3A_131 {offsets = [0, 2, 1, 0], sizes = [32, 14, 14, 128], strides = [1, 1, 1, 1]} : vector<32x18x18x128xf32> to vector<32x14x14x128xf32>
      %slice3A_165 = vector.extract_strided_slice %pad3A_131 {offsets = [0, 2, 2, 0], sizes = [32, 14, 14, 128], strides = [1, 1, 1, 1]} : vector<32x18x18x128xf32> to vector<32x14x14x128xf32>
      %slice3A_166 = vector.extract_strided_slice %pad3A_131 {offsets = [0, 2, 3, 0], sizes = [32, 14, 14, 128], strides = [1, 1, 1, 1]} : vector<32x18x18x128xf32> to vector<32x14x14x128xf32>
      %slice3A_167 = vector.extract_strided_slice %pad3A_131 {offsets = [0, 2, 4, 0], sizes = [32, 14, 14, 128], strides = [1, 1, 1, 1]} : vector<32x18x18x128xf32> to vector<32x14x14x128xf32>
      %stack3A_168 = vector.shape_cast %slice3A_163 : vector<32x14x14x128xf32> to vector<1x32x14x14x128xf32>
      %stack3A_169 = vector.shape_cast %slice3A_164 : vector<32x14x14x128xf32> to vector<1x32x14x14x128xf32>
      %stack3A_170 = vector.shape_cast %slice3A_165 : vector<32x14x14x128xf32> to vector<1x32x14x14x128xf32>
      %stack3A_171 = vector.shape_cast %slice3A_166 : vector<32x14x14x128xf32> to vector<1x32x14x14x128xf32>
      %stack3A_172 = vector.shape_cast %slice3A_167 : vector<32x14x14x128xf32> to vector<1x32x14x14x128xf32>
      %stack3A_173 = tpu.concatenate %stack3A_168, %stack3A_169, %stack3A_170, %stack3A_171, %stack3A_172 in 0 : vector<1x32x14x14x128xf32>, vector<1x32x14x14x128xf32>, vector<1x32x14x14x128xf32>, vector<1x32x14x14x128xf32>, vector<1x32x14x14x128xf32> -> vector<5x32x14x14x128xf32>
      %reshape3A_174 = vector.shape_cast %stack3A_173 : vector<5x32x14x14x128xf32> to vector<160x14x14x128xf32>
      %slice3A_175 = vector.extract_strided_slice %get3A_24 {offsets = [0, 320], sizes = [64, 160], strides = [1, 1]} : vector<64x800xf32> to vector<64x160xf32>
      %dot_general3A_176 = arith.constant dense<0.000000e+00> : vector<64x14x14x128xf32>
      %dot_general3A_177 = tpu.matmul %slice3A_175, %reshape3A_174, %dot_general3A_176 {dimension_numbers = #tpu.dot_dimension_numbers<[1], [0], [0], [1, 2, 3], [0, 0, 1, 1, 1, 2, 1, 3], [], []>, transpose_lhs_hint = false} : vector<64x160xf32>, vector<160x14x14x128xf32>, vector<64x14x14x128xf32> -> vector<64x14x14x128xf32>
      %add3A_178 = arith.addf %add3A_162, %dot_general3A_177 : vector<64x14x14x128xf32>
      %slice3A_179 = vector.extract_strided_slice %pad3A_131 {offsets = [0, 3, 0, 0], sizes = [32, 14, 14, 128], strides = [1, 1, 1, 1]} : vector<32x18x18x128xf32> to vector<32x14x14x128xf32>
      %slice3A_180 = vector.extract_strided_slice %pad3A_131 {offsets = [0, 3, 1, 0], sizes = [32, 14, 14, 128], strides = [1, 1, 1, 1]} : vector<32x18x18x128xf32> to vector<32x14x14x128xf32>
      %slice3A_181 = vector.extract_strided_slice %pad3A_131 {offsets = [0, 3, 2, 0], sizes = [32, 14, 14, 128], strides = [1, 1, 1, 1]} : vector<32x18x18x128xf32> to vector<32x14x14x128xf32>
      %slice3A_182 = vector.extract_strided_slice %pad3A_131 {offsets = [0, 3, 3, 0], sizes = [32, 14, 14, 128], strides = [1, 1, 1, 1]} : vector<32x18x18x128xf32> to vector<32x14x14x128xf32>
      %slice3A_183 = vector.extract_strided_slice %pad3A_131 {offsets = [0, 3, 4, 0], sizes = [32, 14, 14, 128], strides = [1, 1, 1, 1]} : vector<32x18x18x128xf32> to vector<32x14x14x128xf32>
      %stack3A_184 = vector.shape_cast %slice3A_179 : vector<32x14x14x128xf32> to vector<1x32x14x14x128xf32>
      %stack3A_185 = vector.shape_cast %slice3A_180 : vector<32x14x14x128xf32> to vector<1x32x14x14x128xf32>
      %stack3A_186 = vector.shape_cast %slice3A_181 : vector<32x14x14x128xf32> to vector<1x32x14x14x128xf32>
      %stack3A_187 = vector.shape_cast %slice3A_182 : vector<32x14x14x128xf32> to vector<1x32x14x14x128xf32>
      %stack3A_188 = vector.shape_cast %slice3A_183 : vector<32x14x14x128xf32> to vector<1x32x14x14x128xf32>
      %stack3A_189 = tpu.concatenate %stack3A_184, %stack3A_185, %stack3A_186, %stack3A_187, %stack3A_188 in 0 : vector<1x32x14x14x128xf32>, vector<1x32x14x14x128xf32>, vector<1x32x14x14x128xf32>, vector<1x32x14x14x128xf32>, vector<1x32x14x14x128xf32> -> vector<5x32x14x14x128xf32>
      %reshape3A_190 = vector.shape_cast %stack3A_189 : vector<5x32x14x14x128xf32> to vector<160x14x14x128xf32>
      %slice3A_191 = vector.extract_strided_slice %get3A_24 {offsets = [0, 480], sizes = [64, 160], strides = [1, 1]} : vector<64x800xf32> to vector<64x160xf32>
      %dot_general3A_192 = arith.constant dense<0.000000e+00> : vector<64x14x14x128xf32>
      %dot_general3A_193 = tpu.matmul %slice3A_191, %reshape3A_190, %dot_general3A_192 {dimension_numbers = #tpu.dot_dimension_numbers<[1], [0], [0], [1, 2, 3], [0, 0, 1, 1, 1, 2, 1, 3], [], []>, transpose_lhs_hint = false} : vector<64x160xf32>, vector<160x14x14x128xf32>, vector<64x14x14x128xf32> -> vector<64x14x14x128xf32>
      %add3A_194 = arith.addf %add3A_178, %dot_general3A_193 : vector<64x14x14x128xf32>
      %slice3A_195 = vector.extract_strided_slice %pad3A_131 {offsets = [0, 4, 0, 0], sizes = [32, 14, 14, 128], strides = [1, 1, 1, 1]} : vector<32x18x18x128xf32> to vector<32x14x14x128xf32>
      %slice3A_196 = vector.extract_strided_slice %pad3A_131 {offsets = [0, 4, 1, 0], sizes = [32, 14, 14, 128], strides = [1, 1, 1, 1]} : vector<32x18x18x128xf32> to vector<32x14x14x128xf32>
      %slice3A_197 = vector.extract_strided_slice %pad3A_131 {offsets = [0, 4, 2, 0], sizes = [32, 14, 14, 128], strides = [1, 1, 1, 1]} : vector<32x18x18x128xf32> to vector<32x14x14x128xf32>
      %slice3A_198 = vector.extract_strided_slice %pad3A_131 {offsets = [0, 4, 3, 0], sizes = [32, 14, 14, 128], strides = [1, 1, 1, 1]} : vector<32x18x18x128xf32> to vector<32x14x14x128xf32>
      %slice3A_199 = vector.extract_strided_slice %pad3A_131 {offsets = [0, 4, 4, 0], sizes = [32, 14, 14, 128], strides = [1, 1, 1, 1]} : vector<32x18x18x128xf32> to vector<32x14x14x128xf32>
      %stack3A_200 = vector.shape_cast %slice3A_195 : vector<32x14x14x128xf32> to vector<1x32x14x14x128xf32>
      %stack3A_201 = vector.shape_cast %slice3A_196 : vector<32x14x14x128xf32> to vector<1x32x14x14x128xf32>
      %stack3A_202 = vector.shape_cast %slice3A_197 : vector<32x14x14x128xf32> to vector<1x32x14x14x128xf32>
      %stack3A_203 = vector.shape_cast %slice3A_198 : vector<32x14x14x128xf32> to vector<1x32x14x14x128xf32>
      %stack3A_204 = vector.shape_cast %slice3A_199 : vector<32x14x14x128xf32> to vector<1x32x14x14x128xf32>
      %stack3A_205 = tpu.concatenate %stack3A_200, %stack3A_201, %stack3A_202, %stack3A_203, %stack3A_204 in 0 : vector<1x32x14x14x128xf32>, vector<1x32x14x14x128xf32>, vector<1x32x14x14x128xf32>, vector<1x32x14x14x128xf32>, vector<1x32x14x14x128xf32> -> vector<5x32x14x14x128xf32>
      %reshape3A_206 = vector.shape_cast %stack3A_205 : vector<5x32x14x14x128xf32> to vector<160x14x14x128xf32>
      %slice3A_207 = vector.extract_strided_slice %get3A_24 {offsets = [0, 640], sizes = [64, 160], strides = [1, 1]} : vector<64x800xf32> to vector<64x160xf32>
      %dot_general3A_208 = arith.constant dense<0.000000e+00> : vector<64x14x14x128xf32>
      %dot_general3A_209 = tpu.matmul %slice3A_207, %reshape3A_206, %dot_general3A_208 {dimension_numbers = #tpu.dot_dimension_numbers<[1], [0], [0], [1, 2, 3], [0, 0, 1, 1, 1, 2, 1, 3], [], []>, transpose_lhs_hint = false} : vector<64x160xf32>, vector<160x14x14x128xf32>, vector<64x14x14x128xf32> -> vector<64x14x14x128xf32>
      %add3A_210 = arith.addf %add3A_194, %dot_general3A_209 : vector<64x14x14x128xf32>
      %broadcast_in_dim3A_211 = vector.shape_cast %get3A_29 : vector<64x1xf32> to vector<64x1x1x1xf32>
      %add3A_212 = vector.broadcast %broadcast_in_dim3A_211 : vector<64x1x1x1xf32> to vector<64x14x14x128xf32>
      %add3A_213 = arith.addf %add3A_210, %add3A_212 : vector<64x14x14x128xf32>
      %max3A_214 = arith.constant 0.000000e+00 : f32
      %max3A_215 = vector.broadcast %max3A_214 : f32 to vector<64x14x14x128xf32>
      %max3A_216 = arith.maximumf %add3A_213, %max3A_215 : vector<64x14x14x128xf32>
      %reshape3A_217 = vector.shape_cast %max3A_216 : vector<64x14x14x128xf32> to vector<64x14x7x2x128xf32>
      %slice3A_218 = vector.extract_strided_slice %reshape3A_217 {offsets = [0, 0, 0, 0, 0], sizes = [64, 14, 7, 1, 128], strides = [1, 1, 1, 1, 1]} : vector<64x14x7x2x128xf32> to vector<64x14x7x1x128xf32>
      %squeeze3A_219 = vector.shape_cast %slice3A_218 : vector<64x14x7x1x128xf32> to vector<64x14x7x128xf32>
      %slice3A_220 = vector.extract_strided_slice %reshape3A_217 {offsets = [0, 0, 0, 1, 0], sizes = [64, 14, 7, 1, 128], strides = [1, 1, 1, 1, 1]} : vector<64x14x7x2x128xf32> to vector<64x14x7x1x128xf32>
      %squeeze3A_221 = vector.shape_cast %slice3A_220 : vector<64x14x7x1x128xf32> to vector<64x14x7x128xf32>
      %max3A_222 = arith.maximumf %squeeze3A_219, %squeeze3A_221 : vector<64x14x7x128xf32>
      %reshape3A_223 = vector.shape_cast %max3A_222 : vector<64x14x7x128xf32> to vector<64x7x2x7x128xf32>
      %slice3A_224 = vector.extract_strided_slice %reshape3A_223 {offsets = [0, 0, 0, 0, 0], sizes = [64, 7, 1, 7, 128], strides = [1, 1, 1, 1, 1]} : vector<64x7x2x7x128xf32> to vector<64x7x1x7x128xf32>
      %squeeze3A_225 = vector.shape_cast %slice3A_224 : vector<64x7x1x7x128xf32> to vector<64x7x7x128xf32>
      %slice3A_226 = vector.extract_strided_slice %reshape3A_223 {offsets = [0, 0, 1, 0, 0], sizes = [64, 7, 1, 7, 128], strides = [1, 1, 1, 1, 1]} : vector<64x7x2x7x128xf32> to vector<64x7x1x7x128xf32>
      %squeeze3A_227 = vector.shape_cast %slice3A_226 : vector<64x7x1x7x128xf32> to vector<64x7x7x128xf32>
      %max3A_228 = arith.maximumf %squeeze3A_225, %squeeze3A_227 : vector<64x7x7x128xf32>
      %reshape3A_229 = vector.shape_cast %max3A_228 : vector<64x7x7x128xf32> to vector<3136x128xf32>
      %dot_general3A_230 = arith.constant dense<0.000000e+00> : vector<128x128xf32>
      %dot_general3A_231 = tpu.matmul %get3A_34, %reshape3A_229, %dot_general3A_230 {dimension_numbers = #tpu.dot_dimension_numbers<[1], [0], [0], [1], [0, 0, 1, 1], [], []>, transpose_lhs_hint = false} : vector<128x3136xf32>, vector<3136x128xf32>, vector<128x128xf32> -> vector<128x128xf32>
      %add3A_232 = vector.broadcast %get3A_39 : vector<128x1xf32> to vector<128x128xf32>
      %add3A_233 = arith.addf %dot_general3A_231, %add3A_232 : vector<128x128xf32>
      %max3A_234 = arith.constant 0.000000e+00 : f32
      %max3A_235 = vector.broadcast %max3A_234 : f32 to vector<128x128xf32>
      %max3A_236 = arith.maximumf %add3A_233, %max3A_235 : vector<128x128xf32>
      %dot_general3A_237 = arith.constant dense<0.000000e+00> : vector<16x128xf32>
      %dot_general3A_238 = tpu.matmul %get3A_44, %max3A_236, %dot_general3A_237 {dimension_numbers = #tpu.dot_dimension_numbers<[1], [0], [0], [1], [0, 0, 1, 1], [], []>, transpose_lhs_hint = false} : vector<16x128xf32>, vector<128x128xf32>, vector<16x128xf32> -> vector<16x128xf32>
      %add3A_239 = vector.broadcast %get3A_49 : vector<16x1xf32> to vector<16x128xf32>
      %add3A_240 = arith.addf %dot_general3A_238, %add3A_239 : vector<16x128xf32>
      %reduce_max3A = arith.constant dense<0xFF800000> : vector<128xf32>
      %reduce_max3A_241 = vector.multi_reduction <maximumf>, %add3A_240, %reduce_max3A [0] : vector<16x128xf32> to vector<128xf32>
      %broadcast_in_dim3A_242 = vector.shape_cast %reduce_max3A_241 : vector<128xf32> to vector<1x128xf32>
      %sub3A = vector.broadcast %broadcast_in_dim3A_242 : vector<1x128xf32> to vector<16x128xf32>
      %sub3A_243 = arith.subf %add3A_240, %sub3A : vector<16x128xf32>
      %exp3A = math.exp %sub3A_243 : vector<16x128xf32>
      %reduce_sum3A = arith.constant dense<0.000000e+00> : vector<128xf32>
      %reduce_sum3A_244 = vector.multi_reduction <add>, %exp3A, %reduce_sum3A [0] : vector<16x128xf32> to vector<128xf32>
      %broadcast_in_dim3A_245 = vector.shape_cast %reduce_sum3A_244 : vector<128xf32> to vector<1x128xf32>
      %div3A = vector.broadcast %broadcast_in_dim3A_245 : vector<1x128xf32> to vector<16x128xf32>
      %div3A_246 = arith.divf %exp3A, %div3A : vector<16x128xf32>
      %swap3A = arith.constant 0 : index
      %swap3A_247 = arith.constant 0 : index
      %swap3A_248 = vector.load %arg12[%swap3A, %swap3A_247] : memref<16x128xf32, #tpu.memory_space<vmem>>, vector<16x128xf32>
      tpu.vector_store %arg12[%swap3A, %swap3A_247], %div3A_246 {strides = array<i32>} : memref<16x128xf32, #tpu.memory_space<vmem>>, vector<16x128xf32>,
    } else {
    }
    %get3A_2 = arith.constant 0 : index
    %get3A_3 = memref.load %arg2[%get3A_2] : memref<1xi32, #tpu.memory_space<smem>>
    %ge3A = arith.cmpi sge, %arg0, %get3A_3 : i32
    %convert_element_type3A_4 = arith.extui %ge3A : i1 to i32
    %cond3A_5 = arith.constant 0 : i32
    %cond3A_6 = arith.cmpi ne, %convert_element_type3A_4, %cond3A_5 : i32
    scf.if %cond3A_6 {
      %broadcast_in_dim3A = arith.constant 0.000000e+00 : f32
      %broadcast_in_dim3A_7 = vector.broadcast %broadcast_in_dim3A : f32 to vector<16x128xf32>
      %swap3A = arith.constant 0 : index
      %swap3A_8 = arith.constant 0 : index
      %swap3A_9 = vector.load %arg12[%swap3A, %swap3A_8] : memref<16x128xf32, #tpu.memory_space<vmem>>, vector<16x128xf32>
      tpu.vector_store %arg12[%swap3A, %swap3A_8], %broadcast_in_dim3A_7 {strides = array<i32>} : memref<16x128xf32, #tpu.memory_space<vmem>>, vector<16x128xf32>,
    } else {
    }
    return
  }
  func.func @transform_0(%arg0: i32, %arg1: memref<24xi32, #tpu.memory_space<smem>>, %arg2: memref<1xi32, #tpu.memory_space<smem>>) -> (i32, i32) {
    %c0_i32 = arith.constant 0 : i32
    %c0_i32_0 = arith.constant 0 : i32
    return %c0_i32, %arg0 : i32, i32
  }
  func.func @transform_1(%arg0: i32, %arg1: memref<24xi32, #tpu.memory_space<smem>>, %arg2: memref<1xi32, #tpu.memory_space<smem>>) -> (i32, i32, i32) {
    %get3A = arith.index_cast %arg0 : i32 to index
    %get3A_0 = memref.load %arg1[%get3A] : memref<24xi32, #tpu.memory_space<smem>>
    %c0_i32 = arith.constant 0 : i32
    %c0_i32_1 = arith.constant 0 : i32
    %c0_i32_2 = arith.constant 0 : i32
    return %get3A_0, %c0_i32, %c0_i32_1 : i32, i32, i32
  }
  func.func @transform_2(%arg0: i32, %arg1: memref<24xi32, #tpu.memory_space<smem>>, %arg2: memref<1xi32, #tpu.memory_space<smem>>) -> (i32, i32, i32) {
    %get3A = arith.index_cast %arg0 : i32 to index
    %get3A_0 = memref.load %arg1[%get3A] : memref<24xi32, #tpu.memory_space<smem>>
    %c0_i32 = arith.constant 0 : i32
    %c0_i32_1 = arith.constant 0 : i32
    %c0_i32_2 = arith.constant 0 : i32
    return %get3A_0, %c0_i32, %c0_i32_1 : i32, i32, i32
  }
  func.func @transform_3(%arg0: i32, %arg1: memref<24xi32, #tpu.memory_space<smem>>, %arg2: memref<1xi32, #tpu.memory_space<smem>>) -> (i32, i32, i32) {
    %get3A = arith.index_cast %arg0 : i32 to index
    %get3A_0 = memref.load %arg1[%get3A] : memref<24xi32, #tpu.memory_space<smem>>
    %c0_i32 = arith.constant 0 : i32
    %c0_i32_1 = arith.constant 0 : i32
    %c0_i32_2 = arith.constant 0 : i32
    return %get3A_0, %c0_i32, %c0_i32_1 : i32, i32, i32
  }
  func.func @transform_4(%arg0: i32, %arg1: memref<24xi32, #tpu.memory_space<smem>>, %arg2: memref<1xi32, #tpu.memory_space<smem>>) -> (i32, i32, i32) {
    %get3A = arith.index_cast %arg0 : i32 to index
    %get3A_0 = memref.load %arg1[%get3A] : memref<24xi32, #tpu.memory_space<smem>>
    %c0_i32 = arith.constant 0 : i32
    %c0_i32_1 = arith.constant 0 : i32
    %c0_i32_2 = arith.constant 0 : i32
    return %get3A_0, %c0_i32, %c0_i32_1 : i32, i32, i32
  }
  func.func @transform_5(%arg0: i32, %arg1: memref<24xi32, #tpu.memory_space<smem>>, %arg2: memref<1xi32, #tpu.memory_space<smem>>) -> (i32, i32, i32) {
    %get3A = arith.index_cast %arg0 : i32 to index
    %get3A_0 = memref.load %arg1[%get3A] : memref<24xi32, #tpu.memory_space<smem>>
    %c0_i32 = arith.constant 0 : i32
    %c0_i32_1 = arith.constant 0 : i32
    %c0_i32_2 = arith.constant 0 : i32
    return %get3A_0, %c0_i32, %c0_i32_1 : i32, i32, i32
  }
  func.func @transform_6(%arg0: i32, %arg1: memref<24xi32, #tpu.memory_space<smem>>, %arg2: memref<1xi32, #tpu.memory_space<smem>>) -> (i32, i32, i32) {
    %get3A = arith.index_cast %arg0 : i32 to index
    %get3A_0 = memref.load %arg1[%get3A] : memref<24xi32, #tpu.memory_space<smem>>
    %c0_i32 = arith.constant 0 : i32
    %c0_i32_1 = arith.constant 0 : i32
    %c0_i32_2 = arith.constant 0 : i32
    return %get3A_0, %c0_i32, %c0_i32_1 : i32, i32, i32
  }
  func.func @transform_7(%arg0: i32, %arg1: memref<24xi32, #tpu.memory_space<smem>>, %arg2: memref<1xi32, #tpu.memory_space<smem>>) -> (i32, i32, i32) {
    %get3A = arith.index_cast %arg0 : i32 to index
    %get3A_0 = memref.load %arg1[%get3A] : memref<24xi32, #tpu.memory_space<smem>>
    %c0_i32 = arith.constant 0 : i32
    %c0_i32_1 = arith.constant 0 : i32
    %c0_i32_2 = arith.constant 0 : i32
    return %get3A_0, %c0_i32, %c0_i32_1 : i32, i32, i32
  }
  func.func @transform_8(%arg0: i32, %arg1: memref<24xi32, #tpu.memory_space<smem>>, %arg2: memref<1xi32, #tpu.memory_space<smem>>) -> (i32, i32, i32) {
    %get3A = arith.index_cast %arg0 : i32 to index
    %get3A_0 = memref.load %arg1[%get3A] : memref<24xi32, #tpu.memory_space<smem>>
    %c0_i32 = arith.constant 0 : i32
    %c0_i32_1 = arith.constant 0 : i32
    %c0_i32_2 = arith.constant 0 : i32
    return %get3A_0, %c0_i32, %c0_i32_1 : i32, i32, i32
  }
  func.func @transform_9(%arg0: i32, %arg1: memref<24xi32, #tpu.memory_space<smem>>, %arg2: memref<1xi32, #tpu.memory_space<smem>>) -> (i32, i32) {
    %c0_i32 = arith.constant 0 : i32
    %c0_i32_0 = arith.constant 0 : i32
    return %c0_i32, %arg0 : i32, i32
  }
}

module attributes {stable_mosaic.version = 14 : i64} {
  func.func @_combine_kernel(%arg0: memref<16x3072xf32, #tpu.memory_space<vmem>>, %arg1: memref<3072x1xi32, #tpu.memory_space<vmem>>, %arg2: memref<3072x1xf32, #tpu.memory_space<vmem>>, %arg3: memref<16x1024xf32, #tpu.memory_space<vmem>>) attributes {dimension_semantics = [], scalar_prefetch = 0 : i64, scratch_operands = 0 : i64, tpu.core_type = #tpu.core_type<tc>} {
    %iota3A = tpu.iota {dimensions = array<i32: 1>} : vector<3072x1024xi32>
    %get3A = arith.constant 0 : index
    %get3A_0 = arith.constant 0 : index
    %get3A_1 = vector.load %arg1[%get3A, %get3A_0] : memref<3072x1xi32, #tpu.memory_space<vmem>>, vector<3072x1xi32>
    %eq3A = vector.broadcast %get3A_1 : vector<3072x1xi32> to vector<3072x1024xi32>
    %eq3A_2 = arith.cmpi eq, %iota3A, %eq3A : vector<3072x1024xi32>
    %get3A_3 = arith.constant 0 : index
    %get3A_4 = arith.constant 0 : index
    %get3A_5 = vector.load %arg2[%get3A_3, %get3A_4] : memref<3072x1xf32, #tpu.memory_space<vmem>>, vector<3072x1xf32>
    %jit3A = arith.constant 0.000000e+00 : f32
    %broadcast_in_dim3A = vector.shape_cast %get3A_5 : vector<3072x1xf32> to vector<3072x1xf32>
    %broadcast_in_dim3A_6 = vector.broadcast %broadcast_in_dim3A : vector<3072x1xf32> to vector<3072x1024xf32>
    %broadcast_in_dim3A_7 = vector.broadcast %jit3A : f32 to vector<3072x1024xf32>
    %select_n3A = arith.select %eq3A_2, %broadcast_in_dim3A_6, %broadcast_in_dim3A_7 : vector<3072x1024xi1>, vector<3072x1024xf32>
    %get3A_8 = arith.constant 0 : index
    %get3A_9 = arith.constant 0 : index
    %get3A_10 = vector.load %arg0[%get3A_8, %get3A_9] : memref<16x3072xf32, #tpu.memory_space<vmem>>, vector<16x3072xf32>
    %dot_general3A = arith.constant dense<0.000000e+00> : vector<16x1024xf32>
    %dot_general3A_11 = tpu.matmul %get3A_10, %select_n3A, %dot_general3A {dimension_numbers = #tpu.dot_dimension_numbers<[1], [0], [0], [1], [0, 0, 1, 1], [], []>, transpose_lhs_hint = false} : vector<16x3072xf32>, vector<3072x1024xf32>, vector<16x1024xf32> -> vector<16x1024xf32>
    %swap3A = arith.constant 0 : index
    %swap3A_12 = arith.constant 0 : index
    %swap3A_13 = vector.load %arg3[%swap3A, %swap3A_12] : memref<16x1024xf32, #tpu.memory_space<vmem>>, vector<16x1024xf32>
    tpu.vector_store %arg3[%swap3A, %swap3A_12], %dot_general3A_11 {strides = array<i32>} : memref<16x1024xf32, #tpu.memory_space<vmem>>, vector<16x1024xf32>,
    return
  }
}

</mosaic_0001>

<sc_bundles>
// kernel: gather_offload_async_start.1
scs
__scs_entry_jumppad:
0x0: {  	(pc) =	sbr.rel $0x88, $3  }
0x1: {  	(tag) =	ssettag $0x0;
	lr =	simm.s32 $0x1  }
0x2: {  	[smem:$0x3F90] =	sst lr;
	_ =	strace $0xD0000000  }
0x3: {  	_ = 	snop  }
0x4: {  	_ = 	snop  }
0x5: {  	_ = 	snop  }
0x6: {  	_ = 	snop  }
0x7: {  	_ = 	snop  }
__scs_overlays_trampoline_lowered:
0x8: {  	[smem:$0x3F9F] =	sst s0  }
0x9: {  	[smem:$0x3FA0] =	sst s1  }
0xa: {  	[smem:$0x3FA1] =	sst s2  }
0xb: {  	[smem:$0x3FA2] =	sst s3  }
0xc: {  	[smem:$0x3FA3] =	sst s4  }
0xd: {  	[smem:$0x3FA4] =	sst s5  }
0xe: {  	[smem:$0x3FA5] =	sst s6  }
0xf: {  	[smem:$0x3FA6] =	sst s7  }
0x10: {  	[smem:$0x3FA7] =	sst s8  }
0x11: {  	[smem:$0x3FA8] =	sst s9;
	s0 =	simm.s32 @!p0 $0x0  }
0x12: {  	s1 =	sld [smem:$0x3F8E];
	s0 =	simm.s32 @p0 $0x1  }
0x13: {  	[smem:$0x3FA9] =	sst s0;
	s0 =	simm.s32 @!p1 $0x0  }
0x14: {  	s2 =	sld [smem:$0x3F8D];
	s0 =	simm.s32 @p1 $0x1  }
0x15: {  	[smem:$0x3FAA] =	sst s0;
	s0 =	simm.s32 @!p2 $0x0  }
0x16: {  	s3 =	sld [smem:$0x3FDB];
	s0 =	simm.s32 @p2 $0x1  }
0x17: {  	s4 =	simm.s32 $0x1BF5;
	[smem:$0x3FAC] =	sst s0  }
0x18: {  	s0 =	sld [smem:$0x3F8F];
	_ =	swait.ge [sflag:s4], $0x0  }
0x19: {  	s7 =	sld [smem:$0x3F90]  }
0x1a: {  	s8 =	sadd.s32 $0xFFFFE003, lr  }
0x1b: {  	s9 =	sadd.s32 $0xFFFFFEF7, lr;
	s5 =	simm.s32 $0xFFFFFFFF;
	p2 =	slt.u32 s8, $0xFFFFF086  }
0x1c: {  	p1 =	slt.u32 s9, $0xF7A;
	s5 =	simm.s32 @!p2 $0x0  }
0x1d: {  	s5 =	simm.s32 @p1 $0x1;
	p0 =	seq.s32 s7, s2  }
0x1e: {  	s7 =	smul.u32 @!p0 $0xF7A, s2;
	p2 =	seq.s32 @!p0 s5, $0x0  }
0x1f: {  	s9 =	smul.u32 $0xF7A, s1;
	s8 =	simm.s32 @!p0 $0x1BF5;
	p2 =	por !p2, p0  }
0x20: {  	[sflag:s8] =	ssyncset.s32 @!p0 $0xFFFFF086;
	s6 =	sadd.s32 @!p0 s3, s7;
	s7 =	simm.s32 @!p0 $0x108  }
0x21: {  	s3 =	sadd.s32 s3, s9;
	s6 =	sadd.s32 @!p0 $0x88, s6;
	s7 =	simm.s32 @p2 $0x1082  }
0x22: {  	[simem:s7], [sflag:s8] =	dma.local @!p0 [hbm:s6], $0xF7A  }
0x23: {  	s9 =	sor.u32 $0xD0000000, s2;
	s6 =	simm.s32 $0x108;
	_ =	swait.ge @!p0 [sflag:s8], $0x0  }
0x24: {  	s3 =	sadd.s32 $0x88, s3;
	s6 =	simm.s32 @!p1 $0x1082;
	[sflag:s4] =	ssyncset.s32 $0xFFFFF086  }
0x25: {  	[simem:s6], [sflag:s4] =	dma.local [hbm:s3], $0xF7A  }
0x26: {  	[smem:$0x3F90] =	sst s1;
	(tag) =	ssettag s2;
	_ =	strace s9  }
0x27: {  	s1 =	sld [smem:$0x3FA0]  }
0x28: {  	s2 =	sld [smem:$0x3FA1]  }
0x29: {  	s4 =	sld [smem:$0x3FA3]  }
0x2a: {  	p0 =	seq.s32 s5, $0x0;
	s5 =	sld [smem:$0x3FA4]  }
0x2b: {  	s6 =	sld [smem:$0x3FA5]  }
0x2c: {  	s7 =	sld [smem:$0x3FA6]  }
0x2d: {  	s3 =	simm.s32 $0x108;
	s8 =	sld [smem:$0x3FA7]  }
0x2e: {  	s3 =	simm.s32 @!p0 $0x1082;
	s9 =	sld [smem:$0x3FA8]  }
0x2f: {  	lr =	sadd.s32 s0, s3;
	s0 =	sld [smem:$0x3F9F]  }
0x30: {  	s3 =	sld [smem:$0x3FA2]  }
0x31: {  	[smem:$0x3FAB] =	sst s10  }
0x32: {  	s10 =	sld [smem:$0x3FA9];
	_ =	sdelay $0x3  }
0x33: {  	p0 =	seq.s32 s10, $0x1;
	s10 =	sld [smem:$0x3FAB];
	_ =	sdelay $0x3  }
0x34: {  	[smem:$0x3FAB] =	sst s10  }
0x35: {  	s10 =	sld [smem:$0x3FAA];
	_ =	sdelay $0x3  }
0x36: {  	p1 =	seq.s32 s10, $0x1;
	s10 =	sld [smem:$0x3FAB];
	_ =	sdelay $0x3  }
0x37: {  	[smem:$0x3FAB] =	sst s10  }
0x38: {  	s10 =	sld [smem:$0x3FAC]  }
0x39: {  	_ = 	snop;
	(pc) =	sbr.ind lr, $3  }
0x3a: {  	_ = 	snop  }
0x3b: {  	_ = 	snop  }
0x3c: {  	p2 =	seq.s32 s10, $0x1;
	s10 =	sld [smem:$0x3FAB]  }
0x3d: {  	_ =	shalt  }
0x3e: {  	_ =	shalt  }
0x3f: {  	_ =	shalt  }
0x40: {  	_ =	shalt  }
0x41: {  	_ =	shalt  }
0x42: {  	_ =	shalt  }
0x43: {  	_ =	shalt  }
0x44: {  	_ =	shalt  }
0x45: {  	_ =	shalt  }
0x46: {  	_ =	shalt  }
0x47: {  	_ =	shalt  }
0x48: {  	_ =	shalt  }
0x49: {  	_ =	shalt  }
0x4a: {  	_ =	shalt  }
0x4b: {  	_ =	shalt  }
0x4c: {  	_ =	shalt  }
0x4d: {  	_ =	shalt  }
0x4e: {  	_ =	shalt  }
0x4f: {  	_ =	shalt  }
0x50: {  	_ =	shalt  }
0x51: {  	_ =	shalt  }
0x52: {  	_ =	shalt  }
0x53: {  	_ =	shalt  }
0x54: {  	_ =	shalt  }
0x55: {  	_ =	shalt  }
0x56: {  	_ =	shalt  }
0x57: {  	_ =	shalt  }
0x58: {  	_ =	shalt  }
0x59: {  	_ =	shalt  }
0x5a: {  	_ =	shalt  }
0x5b: {  	_ =	shalt  }
0x5c: {  	_ =	shalt  }
0x5d: {  	_ =	shalt  }
0x5e: {  	_ =	shalt  }
0x5f: {  	_ =	shalt  }
0x60: {  	_ =	shalt  }
0x61: {  	_ =	shalt  }
0x62: {  	_ =	shalt  }
0x63: {  	_ =	shalt  }
0x64: {  	_ =	shalt  }
0x65: {  	_ =	shalt  }
0x66: {  	_ =	shalt  }
0x67: {  	_ =	shalt  }
0x68: {  	_ =	shalt  }
0x69: {  	_ =	shalt  }
0x6a: {  	_ =	shalt  }
0x6b: {  	_ =	shalt  }
0x6c: {  	_ =	shalt  }
0x6d: {  	_ =	shalt  }
0x6e: {  	_ =	shalt  }
0x6f: {  	_ =	shalt  }
0x70: {  	_ =	shalt  }
0x71: {  	_ =	shalt  }
0x72: {  	_ =	shalt  }
0x73: {  	_ =	shalt  }
0x74: {  	_ =	shalt  }
0x75: {  	_ =	shalt  }
0x76: {  	_ =	shalt  }
0x77: {  	_ =	shalt  }
0x78: {  	_ =	shalt  }
0x79: {  	_ =	shalt  }
0x7a: {  	_ =	shalt  }
0x7b: {  	_ =	shalt  }
0x7c: {  	_ =	shalt  }
0x7d: {  	_ =	shalt  }
0x7e: {  	_ =	shalt  }
0x7f: {  	_ =	shalt  }
0x80: {  	_ =	shalt  }
0x81: {  	_ =	shalt  }
0x82: {  	_ =	shalt  }
0x83: {  	_ =	shalt  }
0x84: {  	_ =	shalt  }
0x85: {  	_ =	shalt  }
0x86: {  	_ =	shalt  }
0x87: {  	_ =	shalt  }
.Lfunc_end0:
.L_simem_size_0:
called_computation.2_lowered:
.L_overlay_start_0:
0x88: {  	s2 =	sld [smem:$0x3FD9]  }
0x89: {  	s3 =	sld [smem:$0x3FFE];
	_ =	sdelay $0x1  }
0x8a: {  	s1 =	srdreg.scid  }
0x8b: {  	s0 =	sand.u32 $0x1, s1  }
0x8c: {  	s17 =	sshll.u32 s0, $0xA;
	s2 =	sadd.s32 s3, s2  }
0x8d: {  	s2 =	sadd.s32 s2, s17  }
0x8e: {  	[smem:$0x3FB7] =	sst s2  }
0x8f: {  	_ = 	snop  }
0x90: {  	s2 =	sld [smem:$0x3FD0];
	(tm) =	ssettm $0x1  }
0x91: {  	s18 =	sld [smem:$0x3FFB];
	_ =	sdelay $0x3  }
0x92: {  	_ =	strace s18  }
0x93: {  	s3 =	sld [smem:$0x3FFC];
	_ =	sdelay $0x3  }
0x94: {  	_ =	strace s3  }
0x95: {  	s3 =	sld [smem:$0x3FFD];
	_ =	sdelay $0x3  }
0x96: {  	_ =	strace s3  }
0x97: {  	_ =	strace $0x8FFFFFFF  }
0x98: {  	s19 =	sld [smem:$0x3FDB];
	_ =	sdelay $0x1  }
0x99: {  	s4 =	simm.s32 $_scs_section_size  }
0x9a: {  	s5 =	simm.s32 $_size__tile_overlayer_lowered;
	s6 =	simm.s32 $_tile_overlayer_lowered  }
0x9b: {  	s22 =	simm.s32 $0x1BFF;
	s21 =	sshll.u32 s6, $0x1;
	s3 =	sadd.s32 s4, s19  }
0x9c: {  	s7 =	simm.s32 $0x0;
	s20 =	sshll.u32 s5, $0x1;
	s5 =	sadd.s32 s21, s3  }
0x9d: {  	[timem:s7], [sflag:s22] =	dma.local [hbm:s5], s20  }
0x9e: {  	_ =	swait.ge [sflag:s22], s20  }
0x9f: {  	s4 =	ssub.s32 $0x0, s20;
	[sflag:s22] =	ssyncset.done $0x0  }
0xa0: {  	[sflag:s22] =	ssyncadd.s32 s4;
	_ =	sdelay $0x1  }
0xa1: {  	s23 =	simm.s32 $0x1B8B  }
0xa2: {  	_ =	swait.ge [sflag:s23], $0x1  }
0xa3: {  	[sflag:s23] =	ssyncset.done $0x0  }
0xa4: {  	s25 =	simm.s32 $0x1B8E;
	s24 =	sld [smem:$0x3FFE];
	[sflag:s23] =	ssyncadd.s32 $0xFFFFFFFF  }
0xa5: {  	s26 =	simm.s32 $execute0_lowered;
	[smem:$0x3FD2] =	sst s25  }
0xa6: {  	s5 =	sshll.u32 s26, $0x1;
	_ =	strace $0x8000004C;
	[dreg:$0x1] =	wrdreg $0xFFFFFFFF  }
0xa7: {  	s28 =	simm.s32 $_size_execute0_lowered;
	s3 =	sadd.s32 s3, s5;
	[dreg:$0x0] =	wrdreg $0x0  }
0xa8: {  	s5 =	sshll.u32 s28, $0x1;
	[dreg:$0x2] =	wrdreg s3  }
0xa9: {  	[dreg:$0x3] =	wrdreg s5  }
0xaa: {  	[dreg:$0x4] =	wrdreg $0xC0  }
0xab: {  	_ =	task [dreg:s7], $0x5FFFF  }
0xac: {  	[dreg:$0x1] =	wrdreg $0xFFFFFFFF  }
0xad: {  	[dreg:$0x0] =	wrdreg $0x60  }
0xae: {  	[dreg:$0x2] =	wrdreg s24  }
0xaf: {  	[dreg:$0x3] =	wrdreg s2  }
0xb0: {  	[dreg:$0x4] =	wrdreg $0x9  }
0xb1: {  	_ =	task.clear_ibuf [dreg:s7], $0x5FFFF;
	_ =	strace $0x9000004C  }
0xb2: {  	s29 =	simm.s32 $0x9;
	_ =	strace $0x8000004E  }
0xb3: {  	_ =	swait.ge [sflag:s29], $0x1  }
0xb4: {  	[sflag:s29] =	ssyncadd.s32 $0xFFFFFFFF  }
0xb5: {  	_ =	strace $0x9000004E  }
0xb6: {  	_ =	sfence  }
0xb7: {  	s30 =	sld [smem:$0x0];
	_ =	sdelay $0x2  }
0xb8: {  	s31 =	sshll.u32 s1, $0xD;
	s1 =	sshrl.u32 s1, $0x2  }
0xb9: {  	s3 =	sand.u32 $0x4000, s31;
	s1 =	sadd.s32 s1, s30  }
0xba: {  	s0 =	sor.u32 s3, s0;
	s1 =	sshll.u32 s1, $0x11  }
0xbb: {  	s0 =	sor.u32 s1, s0  }
0xbc: {  	s0 =	sadd.s32 $0x8F2B, s0  }
0xbd: {  	[sflag:s0] =	ssyncadd.remote.s32 $0x1  }
0xbe: {  	_ =	sfence.sel $0xFFFF  }
0xbf: {  	[dreg:$0x0] =	wrdreg $0xFFFFFFFF;
	(pc) =	sbr.abs _section_cstart, $3  }
0xc0: {  	[dreg:$0x1] =	wrdreg $0xFFFFFFFF  }
0xc1: {  	_ =	task.clear_ibuf [dreg:s7], $0x2FFFF;
	_ =	strace $0x9FFFFFFF  }
0xc2: {  	(tm) =	ssettm $0x7FFFFFFF  }
0xc3: {  	_ =	shalt  }
tec
execute0_lowered:
.L_overlay_start_1:
0x0: {  	(tag) =	ssettag $0x1  }
0x1: {  	s1 =	srdreg.scid;
	s6 =	rddreg [dreg:$0x0]  }
0x2: {  	s0 =	stileid.u32;
	s2 =	rddreg [dreg:$0x1];
	s1 =	sshll.u32 s1, $0x5  }
0x3: {  	s7 =	simm.s32 $0x1;
	s3 =	sshll.u32 s0, $0x6;
	s1 =	sand.u32 $0x20, s1  }
0x4: {  	s30 =	simm.s32 $0x2;
	s31 =	simm.s32 $0x3;
	s3 =	sor.u32 s3, s1  }
0x5: {  	s11 =	simm.s32 $0x0;
	s9 =	simm.s32 $0x0;
	s5 =	ssub.s32 $0x800, s3  }
0x6: {  	s4 =	sadd.s32 $0x65000, s6;
	s6 =	sadd.s32 $0x65200, s6;
	s8 =	sand.u32 $0x3E0, s5  }
0x7: {  	s1 =	rddreg [dreg:$0x2];
	_ =	strace $0x8000004D;
	p0 =	sne.s32 s8, $0x0  }
0x8: {  	[sflag:s7] =	ssyncpa.u1 $0x0;
	s5 =	sshrl.u32 s5, $0xA;
	s7 =	simm.s32 @!p0 $0x0  }
0x9: {  	s10 =	smov.u32 s3;
	[sflag:s30] =	ssyncpa.u1 $0x0;
	s5 =	sadd.s32 s7, s5  }
0xa: {  	[sflag:s31] =	ssyncpa.u1 $0x0;
	s8 =	simm.s32 $0x0;
	s7 =	sadd.s32 $0x1, s5  }
.LBB2_1:
0xb: {  	p0 =	sge.u32 s9, s5  }
0xc: {  	s31 =	sadd.s32 $0xFFFFFFFF, s9;
	s12 =	sxor.u32 @!p0 $0xFFFFFFFF, s8;
	s13 =	sshrl.u32 @!p0 s10, $0x3  }
0xd: {  	s14 =	sand.u32 @!p0 $0x7, s10;
	s12 =	sand.u32 @!p0 $0x20, s12;
	s13 =	sadd.s32 @!p0 s6, s13  }
0xe: {  	[tilespmem:s12], [sflag:$0x2] =	stream.linear.gather @!p0 [hbm4b:s13+s14], $0x20, $0x38;
	[tilespmem:$0x80] =	vst v63  }
0xf: {  	p0 =	sge.u32 s31, s5  }
0x10: {  	s12 =	simm.s32 @!p0 $0x2  }
0x11: {  	_ =	swait.ge @!p0 [sflag:s12], $0x20  }
0x12: {  	[sflag:s12] =	ssyncset.done @!p0 $0x0  }
0x13: {  	[sflag:s12] =	ssyncadd.s32 @!p0 $0xFFFFFFE0;
	s12 =	sand.u32 @!p0 $0x20, s8  }
0x14: {  	(ifvalue) =	ssetifvalue @!p0 $0x7FFFFFFF;
	v0 =	vld.msk @!p0 [tilespmem:s12+$0x0 ss:$0x1], $0xffff;
	_ =	sdelay $0x4  }
0x15: {  	vm0 =	vgt.s32 @!p0 v0, $0x0  }
0x16: {  	v0 =	vnsel @!p0 vm0, $0x0, v0  }
0x17: {  	v0 =	vmin.u32 @!p0 v0, $0x7FF;
	_ =	sdelay $0x2  }
0x18: {  	s14 =	simm.s32 @!p0 $0x0  }
0x19: {  	s13 =	sor.u32 @!p0 $0x40, s12;
	(ifvalue) =	ssetifvalue @!p0 $0x7FFFFFFF;
	s15 =	sor.u32 @!p0 $0x10, s12;
	vm0 =	vmmov @!p0 $0xffff  }
0x1a: {  	[tilespmem:s13], [sflag:$0x1] =	stream.indirect_vreg.gather @!p0 [hbm4b:s4+s14], $0x1, v0, vm0, $0x4038;
	[tilespmem:$0x80] =	vst v63  }
0x1b: {  	v0 =	vld.msk @!p0 [tilespmem:s15+$0x0 ss:$0x1], $0xffff;
	_ =	sdelay $0x4  }
0x1c: {  	vm1 =	vgt.s32 @!p0 v0, $0x0  }
0x1d: {  	v0 =	vnsel @!p0 vm1, $0x0, v0  }
0x1e: {  	v0 =	vmin.u32 @!p0 v0, $0x7FF;
	_ =	sdelay $0x3  }
0x1f: {  	s12 =	sor.u32 @!p0 $0x50, s12;
	(ifvalue) =	ssetifvalue @!p0 $0x7FFFFFFF  }
0x20: {  	[tilespmem:s12], [sflag:$0x1] =	stream.indirect_vreg.gather @!p0 [hbm4b:s4+s14], $0x1, v0, vm0, $0x4038;
	[tilespmem:$0x80] =	vst v63  }
0x21: {  	s12 =	simm.s32 @!p0 $0x1  }
0x22: {  	_ =	swait.ge @!p0 [sflag:s12], $0x20  }
0x23: {  	s14 =	sshrl.u32 @!p0 s11, $0x3;
	[sflag:s12] =	ssyncset.done @!p0 $0x0  }
0x24: {  	s11 =	sand.u32 @!p0 $0x7, s11;
	[sflag:s12] =	ssyncadd.s32 @!p0 $0xFFFFFFE0;
	s12 =	sadd.s32 @!p0 s2, s14  }
0x25: {  	[hbm4b:s12+s11] =	stream.linear.scatter @!p0 [tilespmem:s13], [sflag:$0x3], $0x20, $0x38;
	[tilespmem:$0x80] =	vst v63  }
0x26: {  	s13 =	sadd.s32 $0x400, s10  }
0x27: {  	p1 =	sgt.s32 s13, $0x7FF  }
0x28: {  	s13 =	smov.u32 @p1 s3;
	p1 =	sne.s32 s9, s7  }
.Ltmp0:
0x29: {  	p0 =	slt.u32 s9, $0x2;
	(pc) =	sbr.rel @p1 .LBB2_1-.Ltmp0, $4  }
0x2a: {  	s12 =	simm.s32 @!p0 $0x3  }
0x2b: {  	_ =	swait.ge @!p0 [sflag:s12], $0x20  }
0x2c: {  	s8 =	sadd.s32 $0x20, s8;
	s11 =	smov.u32 s10;
	[sflag:s12] =	ssyncset.done @!p0 $0x0  }
0x2d: {  	s9 =	sadd.s32 $0x1, s9;
	s10 =	smov.u32 s13;
	[sflag:s12] =	ssyncadd.s32 @!p0 $0xFFFFFFE0  }
0x2e: {  	_ =	sfence.sel $0x180000  }
0x2f: {  	s2 =	simm.s32 $0x2;
	[bflag:$0x0] =	sbarrier.arrive $0xFFFF  }
0x30: {  	s30 =	simm.s32 $0x3;
	[sflag:s2] =	ssyncpa.u1 $0x1  }
0x31: {  	s31 =	simm.s32 $0x1;
	[sflag:s30] =	ssyncpa.u1 $0x1  }
0x32: {  	[sflag:s31] =	ssyncpa.u1 $0x1  }
0x33: {  	p0 =	sne.s32 s0, $0x0;
	_ =	strace $0x9000004D  }
0x34: {  	s0 =	sadd.s32 @!p0 $0x100000, s1;
	[bflag:$0x2] =	sbarrier.arrive $0xFFFF  }
0x35: {  	[sflag:s0] =	ssyncadd.tile.s32 @!p0 $0x1;
	_ =	shalt  }
.Lfunc_end2:
_tile_overlayer_lowered:
.L_overlay_start_2:
0x36: {  	(tag) =	ssettag $0x2  }
0x37: {  	s0 =	rddreg [dreg:$0x0];
	s2 =	stileid.u32  }
0x38: {  	s1 =	rddreg [dreg:$0x1];
	p0 =	sne.s32 s2, $0x0  }
0x39: {  	s3 =	rddreg [dreg:$0x2];
	[bflag:$0x3] =	sbarrier.arrive $0xFFFF;
	s2 =	simm.s32 @!p0 $0x1C01  }
0x3a: {  	[timem:s3], [sflag:s2] =	dma.local @!p0 [hbm:s0], s1  }
0x3b: {  	s0 =	simm.s32 @!p0 $0x1  }
0x3c: {  	_ =	swait.ge @!p0 [sflag:s0], s1  }
0x3d: {  	s1 =	ssub.s32 @!p0 $0x0, s1;
	[sflag:s0] =	ssyncset.done @!p0 $0x0  }
0x3e: {  	[sflag:s0] =	ssyncadd.s32 @!p0 s1  }
0x3f: {  	[bflag:$0x3] =	sbarrier.arrive $0xFFFF  }
0x40: {  	_ =	shalt  }

// kernel: gather_offload_async_start.2
scs
__scs_entry_jumppad:
0x0: {  	(pc) =	sbr.rel $0x88, $3  }
0x1: {  	(tag) =	ssettag $0x0;
	lr =	simm.s32 $0x1  }
0x2: {  	[smem:$0x3F90] =	sst lr;
	_ =	strace $0xD0000000  }
0x3: {  	_ = 	snop  }
0x4: {  	_ = 	snop  }
0x5: {  	_ = 	snop  }
0x6: {  	_ = 	snop  }
0x7: {  	_ = 	snop  }
__scs_overlays_trampoline_lowered:
0x8: {  	[smem:$0x3F9F] =	sst s0  }
0x9: {  	[smem:$0x3FA0] =	sst s1  }
0xa: {  	[smem:$0x3FA1] =	sst s2  }
0xb: {  	[smem:$0x3FA2] =	sst s3  }
0xc: {  	[smem:$0x3FA3] =	sst s4  }
0xd: {  	[smem:$0x3FA4] =	sst s5  }
0xe: {  	[smem:$0x3FA5] =	sst s6  }
0xf: {  	[smem:$0x3FA6] =	sst s7  }
0x10: {  	[smem:$0x3FA7] =	sst s8  }
0x11: {  	[smem:$0x3FA8] =	sst s9;
	s0 =	simm.s32 @!p0 $0x0  }
0x12: {  	s1 =	sld [smem:$0x3F8E];
	s0 =	simm.s32 @p0 $0x1  }
0x13: {  	[smem:$0x3FA9] =	sst s0;
	s0 =	simm.s32 @!p1 $0x0  }
0x14: {  	s2 =	sld [smem:$0x3F8D];
	s0 =	simm.s32 @p1 $0x1  }
0x15: {  	[smem:$0x3FAA] =	sst s0;
	s0 =	simm.s32 @!p2 $0x0  }
0x16: {  	s3 =	sld [smem:$0x3FDB];
	s0 =	simm.s32 @p2 $0x1  }
0x17: {  	s4 =	simm.s32 $0x1BF5;
	[smem:$0x3FAC] =	sst s0  }
0x18: {  	s0 =	sld [smem:$0x3F8F];
	_ =	swait.ge [sflag:s4], $0x0  }
0x19: {  	s7 =	sld [smem:$0x3F90]  }
0x1a: {  	s8 =	sadd.s32 $0xFFFFE003, lr  }
0x1b: {  	s9 =	sadd.s32 $0xFFFFFEF7, lr;
	s5 =	simm.s32 $0xFFFFFFFF;
	p2 =	slt.u32 s8, $0xFFFFF086  }
0x1c: {  	p1 =	slt.u32 s9, $0xF7A;
	s5 =	simm.s32 @!p2 $0x0  }
0x1d: {  	s5 =	simm.s32 @p1 $0x1;
	p0 =	seq.s32 s7, s2  }
0x1e: {  	s7 =	smul.u32 @!p0 $0xF7A, s2;
	p2 =	seq.s32 @!p0 s5, $0x0  }
0x1f: {  	s9 =	smul.u32 $0xF7A, s1;
	s8 =	simm.s32 @!p0 $0x1BF5;
	p2 =	por !p2, p0  }
0x20: {  	[sflag:s8] =	ssyncset.s32 @!p0 $0xFFFFF086;
	s6 =	sadd.s32 @!p0 s3, s7;
	s7 =	simm.s32 @!p0 $0x108  }
0x21: {  	s3 =	sadd.s32 s3, s9;
	s6 =	sadd.s32 @!p0 $0x88, s6;
	s7 =	simm.s32 @p2 $0x1082  }
0x22: {  	[simem:s7], [sflag:s8] =	dma.local @!p0 [hbm:s6], $0xF7A  }
0x23: {  	s9 =	sor.u32 $0xD0000000, s2;
	s6 =	simm.s32 $0x108;
	_ =	swait.ge @!p0 [sflag:s8], $0x0  }
0x24: {  	s3 =	sadd.s32 $0x88, s3;
	s6 =	simm.s32 @!p1 $0x1082;
	[sflag:s4] =	ssyncset.s32 $0xFFFFF086  }
0x25: {  	[simem:s6], [sflag:s4] =	dma.local [hbm:s3], $0xF7A  }
0x26: {  	[smem:$0x3F90] =	sst s1;
	(tag) =	ssettag s2;
	_ =	strace s9  }
0x27: {  	s1 =	sld [smem:$0x3FA0]  }
0x28: {  	s2 =	sld [smem:$0x3FA1]  }
0x29: {  	s4 =	sld [smem:$0x3FA3]  }
0x2a: {  	p0 =	seq.s32 s5, $0x0;
	s5 =	sld [smem:$0x3FA4]  }
0x2b: {  	s6 =	sld [smem:$0x3FA5]  }
0x2c: {  	s7 =	sld [smem:$0x3FA6]  }
0x2d: {  	s3 =	simm.s32 $0x108;
	s8 =	sld [smem:$0x3FA7]  }
0x2e: {  	s3 =	simm.s32 @!p0 $0x1082;
	s9 =	sld [smem:$0x3FA8]  }
0x2f: {  	lr =	sadd.s32 s0, s3;
	s0 =	sld [smem:$0x3F9F]  }
0x30: {  	s3 =	sld [smem:$0x3FA2]  }
0x31: {  	[smem:$0x3FAB] =	sst s10  }
0x32: {  	s10 =	sld [smem:$0x3FA9];
	_ =	sdelay $0x3  }
0x33: {  	p0 =	seq.s32 s10, $0x1;
	s10 =	sld [smem:$0x3FAB];
	_ =	sdelay $0x3  }
0x34: {  	[smem:$0x3FAB] =	sst s10  }
0x35: {  	s10 =	sld [smem:$0x3FAA];
	_ =	sdelay $0x3  }
0x36: {  	p1 =	seq.s32 s10, $0x1;
	s10 =	sld [smem:$0x3FAB];
	_ =	sdelay $0x3  }
0x37: {  	[smem:$0x3FAB] =	sst s10  }
0x38: {  	s10 =	sld [smem:$0x3FAC]  }
0x39: {  	_ = 	snop;
	(pc) =	sbr.ind lr, $3  }
0x3a: {  	_ = 	snop  }
0x3b: {  	_ = 	snop  }
0x3c: {  	p2 =	seq.s32 s10, $0x1;
	s10 =	sld [smem:$0x3FAB]  }
0x3d: {  	_ =	shalt  }
0x3e: {  	_ =	shalt  }
0x3f: {  	_ =	shalt  }
0x40: {  	_ =	shalt  }
0x41: {  	_ =	shalt  }
0x42: {  	_ =	shalt  }
0x43: {  	_ =	shalt  }
0x44: {  	_ =	shalt  }
0x45: {  	_ =	shalt  }
0x46: {  	_ =	shalt  }
0x47: {  	_ =	shalt  }
0x48: {  	_ =	shalt  }
0x49: {  	_ =	shalt  }
0x4a: {  	_ =	shalt  }
0x4b: {  	_ =	shalt  }
0x4c: {  	_ =	shalt  }
0x4d: {  	_ =	shalt  }
0x4e: {  	_ =	shalt  }
0x4f: {  	_ =	shalt  }
0x50: {  	_ =	shalt  }
0x51: {  	_ =	shalt  }
0x52: {  	_ =	shalt  }
0x53: {  	_ =	shalt  }
0x54: {  	_ =	shalt  }
0x55: {  	_ =	shalt  }
0x56: {  	_ =	shalt  }
0x57: {  	_ =	shalt  }
0x58: {  	_ =	shalt  }
0x59: {  	_ =	shalt  }
0x5a: {  	_ =	shalt  }
0x5b: {  	_ =	shalt  }
0x5c: {  	_ =	shalt  }
0x5d: {  	_ =	shalt  }
0x5e: {  	_ =	shalt  }
0x5f: {  	_ =	shalt  }
0x60: {  	_ =	shalt  }
0x61: {  	_ =	shalt  }
0x62: {  	_ =	shalt  }
0x63: {  	_ =	shalt  }
0x64: {  	_ =	shalt  }
0x65: {  	_ =	shalt  }
0x66: {  	_ =	shalt  }
0x67: {  	_ =	shalt  }
0x68: {  	_ =	shalt  }
0x69: {  	_ =	shalt  }
0x6a: {  	_ =	shalt  }
0x6b: {  	_ =	shalt  }
0x6c: {  	_ =	shalt  }
0x6d: {  	_ =	shalt  }
0x6e: {  	_ =	shalt  }
0x6f: {  	_ =	shalt  }
0x70: {  	_ =	shalt  }
0x71: {  	_ =	shalt  }
0x72: {  	_ =	shalt  }
0x73: {  	_ =	shalt  }
0x74: {  	_ =	shalt  }
0x75: {  	_ =	shalt  }
0x76: {  	_ =	shalt  }
0x77: {  	_ =	shalt  }
0x78: {  	_ =	shalt  }
0x79: {  	_ =	shalt  }
0x7a: {  	_ =	shalt  }
0x7b: {  	_ =	shalt  }
0x7c: {  	_ =	shalt  }
0x7d: {  	_ =	shalt  }
0x7e: {  	_ =	shalt  }
0x7f: {  	_ =	shalt  }
0x80: {  	_ =	shalt  }
0x81: {  	_ =	shalt  }
0x82: {  	_ =	shalt  }
0x83: {  	_ =	shalt  }
0x84: {  	_ =	shalt  }
0x85: {  	_ =	shalt  }
0x86: {  	_ =	shalt  }
0x87: {  	_ =	shalt  }
.Lfunc_end0:
.L_simem_size_0:
called_computation.3_lowered:
.L_overlay_start_0:
0x88: {  	s2 =	sld [smem:$0x3FD9]  }
0x89: {  	s3 =	sld [smem:$0x3FFE];
	_ =	sdelay $0x1  }
0x8a: {  	s1 =	srdreg.scid  }
0x8b: {  	s0 =	sand.u32 $0x1, s1  }
0x8c: {  	s17 =	sshll.u32 s0, $0xA;
	s2 =	sadd.s32 s3, s2  }
0x8d: {  	s2 =	sadd.s32 s2, s17  }
0x8e: {  	[smem:$0x3FB7] =	sst s2  }
0x8f: {  	_ = 	snop  }
0x90: {  	s2 =	sld [smem:$0x3FD0];
	(tm) =	ssettm $0x1  }
0x91: {  	s18 =	sld [smem:$0x3FFB];
	_ =	sdelay $0x3  }
0x92: {  	_ =	strace s18  }
0x93: {  	s3 =	sld [smem:$0x3FFC];
	_ =	sdelay $0x3  }
0x94: {  	_ =	strace s3  }
0x95: {  	s3 =	sld [smem:$0x3FFD];
	_ =	sdelay $0x3  }
0x96: {  	_ =	strace s3  }
0x97: {  	_ =	strace $0x8FFFFFFF  }
0x98: {  	s19 =	sld [smem:$0x3FDB];
	_ =	sdelay $0x1  }
0x99: {  	s4 =	simm.s32 $_scs_section_size  }
0x9a: {  	s5 =	simm.s32 $_size__tile_overlayer_lowered;
	s6 =	simm.s32 $_tile_overlayer_lowered  }
0x9b: {  	s22 =	simm.s32 $0x1BFF;
	s21 =	sshll.u32 s6, $0x1;
	s3 =	sadd.s32 s4, s19  }
0x9c: {  	s7 =	simm.s32 $0x0;
	s20 =	sshll.u32 s5, $0x1;
	s5 =	sadd.s32 s21, s3  }
0x9d: {  	[timem:s7], [sflag:s22] =	dma.local [hbm:s5], s20  }
0x9e: {  	_ =	swait.ge [sflag:s22], s20  }
0x9f: {  	s4 =	ssub.s32 $0x0, s20;
	[sflag:s22] =	ssyncset.done $0x0  }
0xa0: {  	[sflag:s22] =	ssyncadd.s32 s4;
	_ =	sdelay $0x1  }
0xa1: {  	s23 =	simm.s32 $0x1B8B  }
0xa2: {  	_ =	swait.ge [sflag:s23], $0x1  }
0xa3: {  	[sflag:s23] =	ssyncset.done $0x0  }
0xa4: {  	s25 =	simm.s32 $0x1B8E;
	s24 =	sld [smem:$0x3FFE];
	[sflag:s23] =	ssyncadd.s32 $0xFFFFFFFF  }
0xa5: {  	s26 =	simm.s32 $execute0_lowered;
	[smem:$0x3FD2] =	sst s25  }
0xa6: {  	s5 =	sshll.u32 s26, $0x1;
	_ =	strace $0x8000004F;
	[dreg:$0x1] =	wrdreg $0xFFFFFFFF  }
0xa7: {  	s28 =	simm.s32 $_size_execute0_lowered;
	s3 =	sadd.s32 s3, s5;
	[dreg:$0x0] =	wrdreg $0x0  }
0xa8: {  	s5 =	sshll.u32 s28, $0x1;
	[dreg:$0x2] =	wrdreg s3  }
0xa9: {  	[dreg:$0x3] =	wrdreg s5  }
0xaa: {  	[dreg:$0x4] =	wrdreg $0xC0  }
0xab: {  	_ =	task [dreg:s7], $0x5FFFF  }
0xac: {  	[dreg:$0x1] =	wrdreg $0xFFFFFFFF  }
0xad: {  	[dreg:$0x0] =	wrdreg $0x60  }
0xae: {  	[dreg:$0x2] =	wrdreg s24  }
0xaf: {  	[dreg:$0x3] =	wrdreg s2  }
0xb0: {  	[dreg:$0x4] =	wrdreg $0x9  }
0xb1: {  	_ =	task.clear_ibuf [dreg:s7], $0x5FFFF;
	_ =	strace $0x9000004F  }
0xb2: {  	s29 =	simm.s32 $0x9;
	_ =	strace $0x80000051  }
0xb3: {  	_ =	swait.ge [sflag:s29], $0x1  }
0xb4: {  	[sflag:s29] =	ssyncadd.s32 $0xFFFFFFFF  }
0xb5: {  	_ =	strace $0x90000051  }
0xb6: {  	_ =	sfence  }
0xb7: {  	s30 =	sld [smem:$0x0];
	_ =	sdelay $0x2  }
0xb8: {  	s31 =	sshll.u32 s1, $0xD;
	s1 =	sshrl.u32 s1, $0x2  }
0xb9: {  	s3 =	sand.u32 $0x4000, s31;
	s1 =	sadd.s32 s1, s30  }
0xba: {  	s0 =	sor.u32 s3, s0;
	s1 =	sshll.u32 s1, $0x11  }
0xbb: {  	s0 =	sor.u32 s1, s0  }
0xbc: {  	s0 =	sadd.s32 $0x8F2B, s0  }
0xbd: {  	[sflag:s0] =	ssyncadd.remote.s32 $0x1  }
0xbe: {  	_ =	sfence.sel $0xFFFF  }
0xbf: {  	[dreg:$0x0] =	wrdreg $0xFFFFFFFF;
	(pc) =	sbr.abs _section_cstart, $3  }
0xc0: {  	[dreg:$0x1] =	wrdreg $0xFFFFFFFF  }
0xc1: {  	_ =	task.clear_ibuf [dreg:s7], $0x2FFFF;
	_ =	strace $0x9FFFFFFF  }
0xc2: {  	(tm) =	ssettm $0x7FFFFFFF  }
0xc3: {  	_ =	shalt  }
tec
execute0_lowered:
.L_overlay_start_1:
0x0: {  	(tag) =	ssettag $0x1  }
0x1: {  	s1 =	srdreg.scid;
	s6 =	rddreg [dreg:$0x0]  }
0x2: {  	s0 =	stileid.u32;
	s2 =	rddreg [dreg:$0x1];
	s1 =	sshll.u32 s1, $0x5  }
0x3: {  	s7 =	simm.s32 $0x1;
	s3 =	sshll.u32 s0, $0x6;
	s1 =	sand.u32 $0x20, s1  }
0x4: {  	s30 =	simm.s32 $0x2;
	s31 =	simm.s32 $0x3;
	s3 =	sor.u32 s3, s1  }
0x5: {  	s11 =	simm.s32 $0x0;
	s9 =	simm.s32 $0x0;
	s5 =	ssub.s32 $0x800, s3  }
0x6: {  	s4 =	sadd.s32 $0x65600, s6;
	s6 =	sadd.s32 $0x65200, s6;
	s8 =	sand.u32 $0x3E0, s5  }
0x7: {  	s1 =	rddreg [dreg:$0x2];
	_ =	strace $0x80000050;
	p0 =	sne.s32 s8, $0x0  }
0x8: {  	[sflag:s7] =	ssyncpa.u1 $0x0;
	s5 =	sshrl.u32 s5, $0xA;
	s7 =	simm.s32 @!p0 $0x0  }
0x9: {  	s10 =	smov.u32 s3;
	[sflag:s30] =	ssyncpa.u1 $0x0;
	s5 =	sadd.s32 s7, s5  }
0xa: {  	[sflag:s31] =	ssyncpa.u1 $0x0;
	s8 =	simm.s32 $0x0;
	s7 =	sadd.s32 $0x1, s5  }
.LBB2_1:
0xb: {  	p0 =	sge.u32 s9, s5  }
0xc: {  	s31 =	sadd.s32 $0xFFFFFFFF, s9;
	s12 =	sxor.u32 @!p0 $0xFFFFFFFF, s8;
	s13 =	sshrl.u32 @!p0 s10, $0x3  }
0xd: {  	s14 =	sand.u32 @!p0 $0x7, s10;
	s12 =	sand.u32 @!p0 $0x20, s12;
	s13 =	sadd.s32 @!p0 s6, s13  }
0xe: {  	[tilespmem:s12], [sflag:$0x2] =	stream.linear.gather @!p0 [hbm4b:s13+s14], $0x20, $0x38;
	[tilespmem:$0x80] =	vst v63  }
0xf: {  	p0 =	sge.u32 s31, s5  }
0x10: {  	s12 =	simm.s32 @!p0 $0x2  }
0x11: {  	_ =	swait.ge @!p0 [sflag:s12], $0x20  }
0x12: {  	[sflag:s12] =	ssyncset.done @!p0 $0x0  }
0x13: {  	[sflag:s12] =	ssyncadd.s32 @!p0 $0xFFFFFFE0;
	s12 =	sand.u32 @!p0 $0x20, s8  }
0x14: {  	(ifvalue) =	ssetifvalue @!p0 $0x7FFFFFFF;
	v0 =	vld.msk @!p0 [tilespmem:s12+$0x0 ss:$0x1], $0xffff;
	_ =	sdelay $0x4  }
0x15: {  	vm0 =	vgt.s32 @!p0 v0, $0x0  }
0x16: {  	v0 =	vnsel @!p0 vm0, $0x0, v0  }
0x17: {  	v0 =	vmin.u32 @!p0 v0, $0x7FF;
	_ =	sdelay $0x2  }
0x18: {  	s14 =	simm.s32 @!p0 $0x0  }
0x19: {  	s13 =	sor.u32 @!p0 $0x40, s12;
	(ifvalue) =	ssetifvalue @!p0 $0x7FFFFFFF;
	s15 =	sor.u32 @!p0 $0x10, s12;
	vm0 =	vmmov @!p0 $0xffff  }
0x1a: {  	[tilespmem:s13], [sflag:$0x1] =	stream.indirect_vreg.gather @!p0 [hbm4b:s4+s14], $0x1, v0, vm0, $0x4038;
	[tilespmem:$0x80] =	vst v63  }
0x1b: {  	v0 =	vld.msk @!p0 [tilespmem:s15+$0x0 ss:$0x1], $0xffff;
	_ =	sdelay $0x4  }
0x1c: {  	vm1 =	vgt.s32 @!p0 v0, $0x0  }
0x1d: {  	v0 =	vnsel @!p0 vm1, $0x0, v0  }
0x1e: {  	v0 =	vmin.u32 @!p0 v0, $0x7FF;
	_ =	sdelay $0x3  }
0x1f: {  	s12 =	sor.u32 @!p0 $0x50, s12;
	(ifvalue) =	ssetifvalue @!p0 $0x7FFFFFFF  }
0x20: {  	[tilespmem:s12], [sflag:$0x1] =	stream.indirect_vreg.gather @!p0 [hbm4b:s4+s14], $0x1, v0, vm0, $0x4038;
	[tilespmem:$0x80] =	vst v63  }
0x21: {  	s12 =	simm.s32 @!p0 $0x1  }
0x22: {  	_ =	swait.ge @!p0 [sflag:s12], $0x20  }
0x23: {  	s14 =	sshrl.u32 @!p0 s11, $0x3;
	[sflag:s12] =	ssyncset.done @!p0 $0x0  }
0x24: {  	s11 =	sand.u32 @!p0 $0x7, s11;
	[sflag:s12] =	ssyncadd.s32 @!p0 $0xFFFFFFE0;
	s12 =	sadd.s32 @!p0 s2, s14  }
0x25: {  	[hbm4b:s12+s11] =	stream.linear.scatter @!p0 [tilespmem:s13], [sflag:$0x3], $0x20, $0x38;
	[tilespmem:$0x80] =	vst v63  }
0x26: {  	s13 =	sadd.s32 $0x400, s10  }
0x27: {  	p1 =	sgt.s32 s13, $0x7FF  }
0x28: {  	s13 =	smov.u32 @p1 s3;
	p1 =	sne.s32 s9, s7  }
.Ltmp0:
0x29: {  	p0 =	slt.u32 s9, $0x2;
	(pc) =	sbr.rel @p1 .LBB2_1-.Ltmp0, $4  }
0x2a: {  	s12 =	simm.s32 @!p0 $0x3  }
0x2b: {  	_ =	swait.ge @!p0 [sflag:s12], $0x20  }
0x2c: {  	s8 =	sadd.s32 $0x20, s8;
	s11 =	smov.u32 s10;
	[sflag:s12] =	ssyncset.done @!p0 $0x0  }
0x2d: {  	s9 =	sadd.s32 $0x1, s9;
	s10 =	smov.u32 s13;
	[sflag:s12] =	ssyncadd.s32 @!p0 $0xFFFFFFE0  }
0x2e: {  	_ =	sfence.sel $0x180000  }
0x2f: {  	s2 =	simm.s32 $0x2;
	[bflag:$0x0] =	sbarrier.arrive $0xFFFF  }
0x30: {  	s30 =	simm.s32 $0x3;
	[sflag:s2] =	ssyncpa.u1 $0x1  }
0x31: {  	s31 =	simm.s32 $0x1;
	[sflag:s30] =	ssyncpa.u1 $0x1  }
0x32: {  	[sflag:s31] =	ssyncpa.u1 $0x1  }
0x33: {  	p0 =	sne.s32 s0, $0x0;
	_ =	strace $0x90000050  }
0x34: {  	s0 =	sadd.s32 @!p0 $0x100000, s1;
	[bflag:$0x2] =	sbarrier.arrive $0xFFFF  }
0x35: {  	[sflag:s0] =	ssyncadd.tile.s32 @!p0 $0x1;
	_ =	shalt  }
.Lfunc_end2:
_tile_overlayer_lowered:
.L_overlay_start_2:
0x36: {  	(tag) =	ssettag $0x2  }
0x37: {  	s0 =	rddreg [dreg:$0x0];
	s2 =	stileid.u32  }
0x38: {  	s1 =	rddreg [dreg:$0x1];
	p0 =	sne.s32 s2, $0x0  }
0x39: {  	s3 =	rddreg [dreg:$0x2];
	[bflag:$0x3] =	sbarrier.arrive $0xFFFF;
	s2 =	simm.s32 @!p0 $0x1C01  }
0x3a: {  	[timem:s3], [sflag:s2] =	dma.local @!p0 [hbm:s0], s1  }
0x3b: {  	s0 =	simm.s32 @!p0 $0x1  }
0x3c: {  	_ =	swait.ge @!p0 [sflag:s0], s1  }
0x3d: {  	s1 =	ssub.s32 @!p0 $0x0, s1;
	[sflag:s0] =	ssyncset.done @!p0 $0x0  }
0x3e: {  	[sflag:s0] =	ssyncadd.s32 @!p0 s1  }
0x3f: {  	[bflag:$0x3] =	sbarrier.arrive $0xFFFF  }
0x40: {  	_ =	shalt  }

// kernel: gather_offload_async_start
scs
__scs_entry_jumppad:
0x0: {  	(pc) =	sbr.rel $0x88, $3  }
0x1: {  	(tag) =	ssettag $0x0;
	lr =	simm.s32 $0x1  }
0x2: {  	[smem:$0x3F90] =	sst lr;
	_ =	strace $0xD0000000  }
0x3: {  	_ = 	snop  }
0x4: {  	_ = 	snop  }
0x5: {  	_ = 	snop  }
0x6: {  	_ = 	snop  }
0x7: {  	_ = 	snop  }
__scs_overlays_trampoline_lowered:
0x8: {  	[smem:$0x3F9F] =	sst s0  }
0x9: {  	[smem:$0x3FA0] =	sst s1  }
0xa: {  	[smem:$0x3FA1] =	sst s2  }
0xb: {  	[smem:$0x3FA2] =	sst s3  }
0xc: {  	[smem:$0x3FA3] =	sst s4  }
0xd: {  	[smem:$0x3FA4] =	sst s5  }
0xe: {  	[smem:$0x3FA5] =	sst s6  }
0xf: {  	[smem:$0x3FA6] =	sst s7  }
0x10: {  	[smem:$0x3FA7] =	sst s8  }
0x11: {  	[smem:$0x3FA8] =	sst s9;
	s0 =	simm.s32 @!p0 $0x0  }
0x12: {  	s1 =	sld [smem:$0x3F8E];
	s0 =	simm.s32 @p0 $0x1  }
0x13: {  	[smem:$0x3FA9] =	sst s0;
	s0 =	simm.s32 @!p1 $0x0  }
0x14: {  	s2 =	sld [smem:$0x3F8D];
	s0 =	simm.s32 @p1 $0x1  }
0x15: {  	[smem:$0x3FAA] =	sst s0;
	s0 =	simm.s32 @!p2 $0x0  }
0x16: {  	s3 =	sld [smem:$0x3FDB];
	s0 =	simm.s32 @p2 $0x1  }
0x17: {  	s4 =	simm.s32 $0x1BF5;
	[smem:$0x3FAC] =	sst s0  }
0x18: {  	s0 =	sld [smem:$0x3F8F];
	_ =	swait.ge [sflag:s4], $0x0  }
0x19: {  	s7 =	sld [smem:$0x3F90]  }
0x1a: {  	s8 =	sadd.s32 $0xFFFFE003, lr  }
0x1b: {  	s9 =	sadd.s32 $0xFFFFFEF7, lr;
	s5 =	simm.s32 $0xFFFFFFFF;
	p2 =	slt.u32 s8, $0xFFFFF086  }
0x1c: {  	p1 =	slt.u32 s9, $0xF7A;
	s5 =	simm.s32 @!p2 $0x0  }
0x1d: {  	s5 =	simm.s32 @p1 $0x1;
	p0 =	seq.s32 s7, s2  }
0x1e: {  	s7 =	smul.u32 @!p0 $0xF7A, s2;
	p2 =	seq.s32 @!p0 s5, $0x0  }
0x1f: {  	s9 =	smul.u32 $0xF7A, s1;
	s8 =	simm.s32 @!p0 $0x1BF5;
	p2 =	por !p2, p0  }
0x20: {  	[sflag:s8] =	ssyncset.s32 @!p0 $0xFFFFF086;
	s6 =	sadd.s32 @!p0 s3, s7;
	s7 =	simm.s32 @!p0 $0x108  }
0x21: {  	s3 =	sadd.s32 s3, s9;
	s6 =	sadd.s32 @!p0 $0x88, s6;
	s7 =	simm.s32 @p2 $0x1082  }
0x22: {  	[simem:s7], [sflag:s8] =	dma.local @!p0 [hbm:s6], $0xF7A  }
0x23: {  	s9 =	sor.u32 $0xD0000000, s2;
	s6 =	simm.s32 $0x108;
	_ =	swait.ge @!p0 [sflag:s8], $0x0  }
0x24: {  	s3 =	sadd.s32 $0x88, s3;
	s6 =	simm.s32 @!p1 $0x1082;
	[sflag:s4] =	ssyncset.s32 $0xFFFFF086  }
0x25: {  	[simem:s6], [sflag:s4] =	dma.local [hbm:s3], $0xF7A  }
0x26: {  	[smem:$0x3F90] =	sst s1;
	(tag) =	ssettag s2;
	_ =	strace s9  }
0x27: {  	s1 =	sld [smem:$0x3FA0]  }
0x28: {  	s2 =	sld [smem:$0x3FA1]  }
0x29: {  	s4 =	sld [smem:$0x3FA3]  }
0x2a: {  	p0 =	seq.s32 s5, $0x0;
	s5 =	sld [smem:$0x3FA4]  }
0x2b: {  	s6 =	sld [smem:$0x3FA5]  }
0x2c: {  	s7 =	sld [smem:$0x3FA6]  }
0x2d: {  	s3 =	simm.s32 $0x108;
	s8 =	sld [smem:$0x3FA7]  }
0x2e: {  	s3 =	simm.s32 @!p0 $0x1082;
	s9 =	sld [smem:$0x3FA8]  }
0x2f: {  	lr =	sadd.s32 s0, s3;
	s0 =	sld [smem:$0x3F9F]  }
0x30: {  	s3 =	sld [smem:$0x3FA2]  }
0x31: {  	[smem:$0x3FAB] =	sst s10  }
0x32: {  	s10 =	sld [smem:$0x3FA9];
	_ =	sdelay $0x3  }
0x33: {  	p0 =	seq.s32 s10, $0x1;
	s10 =	sld [smem:$0x3FAB];
	_ =	sdelay $0x3  }
0x34: {  	[smem:$0x3FAB] =	sst s10  }
0x35: {  	s10 =	sld [smem:$0x3FAA];
	_ =	sdelay $0x3  }
0x36: {  	p1 =	seq.s32 s10, $0x1;
	s10 =	sld [smem:$0x3FAB];
	_ =	sdelay $0x3  }
0x37: {  	[smem:$0x3FAB] =	sst s10  }
0x38: {  	s10 =	sld [smem:$0x3FAC]  }
0x39: {  	_ = 	snop;
	(pc) =	sbr.ind lr, $3  }
0x3a: {  	_ = 	snop  }
0x3b: {  	_ = 	snop  }
0x3c: {  	p2 =	seq.s32 s10, $0x1;
	s10 =	sld [smem:$0x3FAB]  }
0x3d: {  	_ =	shalt  }
0x3e: {  	_ =	shalt  }
0x3f: {  	_ =	shalt  }
0x40: {  	_ =	shalt  }
0x41: {  	_ =	shalt  }
0x42: {  	_ =	shalt  }
0x43: {  	_ =	shalt  }
0x44: {  	_ =	shalt  }
0x45: {  	_ =	shalt  }
0x46: {  	_ =	shalt  }
0x47: {  	_ =	shalt  }
0x48: {  	_ =	shalt  }
0x49: {  	_ =	shalt  }
0x4a: {  	_ =	shalt  }
0x4b: {  	_ =	shalt  }
0x4c: {  	_ =	shalt  }
0x4d: {  	_ =	shalt  }
0x4e: {  	_ =	shalt  }
0x4f: {  	_ =	shalt  }
0x50: {  	_ =	shalt  }
0x51: {  	_ =	shalt  }
0x52: {  	_ =	shalt  }
0x53: {  	_ =	shalt  }
0x54: {  	_ =	shalt  }
0x55: {  	_ =	shalt  }
0x56: {  	_ =	shalt  }
0x57: {  	_ =	shalt  }
0x58: {  	_ =	shalt  }
0x59: {  	_ =	shalt  }
0x5a: {  	_ =	shalt  }
0x5b: {  	_ =	shalt  }
0x5c: {  	_ =	shalt  }
0x5d: {  	_ =	shalt  }
0x5e: {  	_ =	shalt  }
0x5f: {  	_ =	shalt  }
0x60: {  	_ =	shalt  }
0x61: {  	_ =	shalt  }
0x62: {  	_ =	shalt  }
0x63: {  	_ =	shalt  }
0x64: {  	_ =	shalt  }
0x65: {  	_ =	shalt  }
0x66: {  	_ =	shalt  }
0x67: {  	_ =	shalt  }
0x68: {  	_ =	shalt  }
0x69: {  	_ =	shalt  }
0x6a: {  	_ =	shalt  }
0x6b: {  	_ =	shalt  }
0x6c: {  	_ =	shalt  }
0x6d: {  	_ =	shalt  }
0x6e: {  	_ =	shalt  }
0x6f: {  	_ =	shalt  }
0x70: {  	_ =	shalt  }
0x71: {  	_ =	shalt  }
0x72: {  	_ =	shalt  }
0x73: {  	_ =	shalt  }
0x74: {  	_ =	shalt  }
0x75: {  	_ =	shalt  }
0x76: {  	_ =	shalt  }
0x77: {  	_ =	shalt  }
0x78: {  	_ =	shalt  }
0x79: {  	_ =	shalt  }
0x7a: {  	_ =	shalt  }
0x7b: {  	_ =	shalt  }
0x7c: {  	_ =	shalt  }
0x7d: {  	_ =	shalt  }
0x7e: {  	_ =	shalt  }
0x7f: {  	_ =	shalt  }
0x80: {  	_ =	shalt  }
0x81: {  	_ =	shalt  }
0x82: {  	_ =	shalt  }
0x83: {  	_ =	shalt  }
0x84: {  	_ =	shalt  }
0x85: {  	_ =	shalt  }
0x86: {  	_ =	shalt  }
0x87: {  	_ =	shalt  }
.Lfunc_end0:
.L_simem_size_0:
called_computation.1_lowered:
.L_overlay_start_0:
0x88: {  	s2 =	sld [smem:$0x3FD9]  }
0x89: {  	s3 =	sld [smem:$0x3FFE];
	_ =	sdelay $0x1  }
0x8a: {  	s1 =	srdreg.scid  }
0x8b: {  	s0 =	sand.u32 $0x1, s1  }
0x8c: {  	s17 =	sshll.u32 s0, $0xA;
	s2 =	sadd.s32 s3, s2  }
0x8d: {  	s2 =	sadd.s32 s2, s17  }
0x8e: {  	[smem:$0x3FB7] =	sst s2  }
0x8f: {  	_ = 	snop  }
0x90: {  	s2 =	sld [smem:$0x3FD0];
	(tm) =	ssettm $0x1  }
0x91: {  	s18 =	sld [smem:$0x3FFB];
	_ =	sdelay $0x3  }
0x92: {  	_ =	strace s18  }
0x93: {  	s3 =	sld [smem:$0x3FFC];
	_ =	sdelay $0x3  }
0x94: {  	_ =	strace s3  }
0x95: {  	s3 =	sld [smem:$0x3FFD];
	_ =	sdelay $0x3  }
0x96: {  	_ =	strace s3  }
0x97: {  	_ =	strace $0x8FFFFFFF  }
0x98: {  	s19 =	sld [smem:$0x3FDB];
	_ =	sdelay $0x1  }
0x99: {  	s4 =	simm.s32 $_scs_section_size  }
0x9a: {  	s5 =	simm.s32 $_size__tile_overlayer_lowered;
	s6 =	simm.s32 $_tile_overlayer_lowered  }
0x9b: {  	s22 =	simm.s32 $0x1BFF;
	s21 =	sshll.u32 s6, $0x1;
	s3 =	sadd.s32 s4, s19  }
0x9c: {  	s7 =	simm.s32 $0x0;
	s20 =	sshll.u32 s5, $0x1;
	s5 =	sadd.s32 s21, s3  }
0x9d: {  	[timem:s7], [sflag:s22] =	dma.local [hbm:s5], s20  }
0x9e: {  	_ =	swait.ge [sflag:s22], s20  }
0x9f: {  	s4 =	ssub.s32 $0x0, s20;
	[sflag:s22] =	ssyncset.done $0x0  }
0xa0: {  	[sflag:s22] =	ssyncadd.s32 s4;
	_ =	sdelay $0x1  }
0xa1: {  	s23 =	simm.s32 $0x1B8B  }
0xa2: {  	_ =	swait.ge [sflag:s23], $0x1  }
0xa3: {  	[sflag:s23] =	ssyncset.done $0x0  }
0xa4: {  	s25 =	simm.s32 $0x1B8E;
	s24 =	sld [smem:$0x3FFE];
	[sflag:s23] =	ssyncadd.s32 $0xFFFFFFFF  }
0xa5: {  	s26 =	simm.s32 $execute0_lowered;
	[smem:$0x3FD2] =	sst s25  }
0xa6: {  	s5 =	sshll.u32 s26, $0x1;
	_ =	strace $0x80000046;
	[dreg:$0x1] =	wrdreg $0xFFFFFFFF  }
0xa7: {  	s28 =	simm.s32 $_size_execute0_lowered;
	s3 =	sadd.s32 s3, s5;
	[dreg:$0x0] =	wrdreg $0x0  }
0xa8: {  	s5 =	sshll.u32 s28, $0x1;
	[dreg:$0x2] =	wrdreg s3  }
0xa9: {  	[dreg:$0x3] =	wrdreg s5  }
0xaa: {  	[dreg:$0x4] =	wrdreg $0xC0  }
0xab: {  	_ =	task [dreg:s7], $0x5FFFF  }
0xac: {  	[dreg:$0x1] =	wrdreg $0xFFFFFFFF  }
0xad: {  	[dreg:$0x0] =	wrdreg $0x60  }
0xae: {  	[dreg:$0x2] =	wrdreg s2  }
0xaf: {  	[dreg:$0x3] =	wrdreg s24  }
0xb0: {  	[dreg:$0x4] =	wrdreg $0x9  }
0xb1: {  	_ =	task.clear_ibuf [dreg:s7], $0x5FFFF;
	_ =	strace $0x90000046  }
0xb2: {  	s29 =	simm.s32 $0x9;
	_ =	strace $0x80000048  }
0xb3: {  	_ =	swait.ge [sflag:s29], $0x1  }
0xb4: {  	[sflag:s29] =	ssyncadd.s32 $0xFFFFFFFF  }
0xb5: {  	_ =	strace $0x90000048  }
0xb6: {  	_ =	sfence  }
0xb7: {  	s30 =	sld [smem:$0x0];
	_ =	sdelay $0x2  }
0xb8: {  	s31 =	sshll.u32 s1, $0xD;
	s1 =	sshrl.u32 s1, $0x2  }
0xb9: {  	s3 =	sand.u32 $0x4000, s31;
	s1 =	sadd.s32 s1, s30  }
0xba: {  	s0 =	sor.u32 s3, s0;
	s1 =	sshll.u32 s1, $0x11  }
0xbb: {  	s0 =	sor.u32 s1, s0  }
0xbc: {  	s0 =	sadd.s32 $0x8F2B, s0  }
0xbd: {  	[sflag:s0] =	ssyncadd.remote.s32 $0x1  }
0xbe: {  	_ =	sfence.sel $0xFFFF  }
0xbf: {  	[dreg:$0x0] =	wrdreg $0xFFFFFFFF;
	(pc) =	sbr.abs _section_cstart, $3  }
0xc0: {  	[dreg:$0x1] =	wrdreg $0xFFFFFFFF  }
0xc1: {  	_ =	task.clear_ibuf [dreg:s7], $0x2FFFF;
	_ =	strace $0x9FFFFFFF  }
0xc2: {  	(tm) =	ssettm $0x7FFFFFFF  }
0xc3: {  	_ =	shalt  }
tec
execute0_lowered:
.L_overlay_start_1:
0x0: {  	(tag) =	ssettag $0x1  }
0x1: {  	s1 =	srdreg.scid;
	s2 =	rddreg [dreg:$0x0]  }
0x2: {  	s0 =	stileid.u32;
	s6 =	rddreg [dreg:$0x1];
	s1 =	sshll.u32 s1, $0x5  }
0x3: {  	s7 =	simm.s32 $0x1;
	s3 =	sshll.u32 s0, $0x6;
	s1 =	sand.u32 $0x20, s1  }
0x4: {  	s30 =	simm.s32 $0x2;
	s31 =	simm.s32 $0x3;
	s3 =	sor.u32 s3, s1  }
0x5: {  	s11 =	simm.s32 $0x0;
	s9 =	simm.s32 $0x0;
	s5 =	ssub.s32 $0x800, s3  }
0x6: {  	s4 =	sadd.s32 $0x65200, s6;
	s6 =	sadd.s32 $0x65400, s6;
	s8 =	sand.u32 $0x3E0, s5  }
0x7: {  	s1 =	rddreg [dreg:$0x2];
	_ =	strace $0x80000047;
	p0 =	sne.s32 s8, $0x0  }
0x8: {  	[sflag:s7] =	ssyncpa.u1 $0x0;
	s5 =	sshrl.u32 s5, $0xA;
	s7 =	simm.s32 @!p0 $0x0  }
0x9: {  	s10 =	smov.u32 s3;
	[sflag:s30] =	ssyncpa.u1 $0x0;
	s5 =	sadd.s32 s7, s5  }
0xa: {  	[sflag:s31] =	ssyncpa.u1 $0x0;
	s8 =	simm.s32 $0x0;
	s7 =	sadd.s32 $0x1, s5  }
.LBB2_1:
0xb: {  	p0 =	sge.u32 s9, s5  }
0xc: {  	s31 =	sadd.s32 $0xFFFFFFFF, s9;
	s12 =	sxor.u32 @!p0 $0xFFFFFFFF, s8;
	s13 =	sshrl.u32 @!p0 s10, $0x3  }
0xd: {  	s14 =	sand.u32 @!p0 $0x7, s10;
	s12 =	sand.u32 @!p0 $0x20, s12;
	s13 =	sadd.s32 @!p0 s4, s13  }
0xe: {  	[tilespmem:s12], [sflag:$0x2] =	stream.linear.gather @!p0 [hbm4b:s13+s14], $0x20, $0x38;
	[tilespmem:$0x80] =	vst v63  }
0xf: {  	p0 =	sge.u32 s31, s5  }
0x10: {  	s12 =	simm.s32 @!p0 $0x2  }
0x11: {  	_ =	swait.ge @!p0 [sflag:s12], $0x20  }
0x12: {  	[sflag:s12] =	ssyncset.done @!p0 $0x0  }
0x13: {  	[sflag:s12] =	ssyncadd.s32 @!p0 $0xFFFFFFE0;
	s12 =	sand.u32 @!p0 $0x20, s8  }
0x14: {  	(ifvalue) =	ssetifvalue @!p0 $0x7FFFFFFF;
	v0 =	vld.msk @!p0 [tilespmem:s12+$0x0 ss:$0x1], $0xffff;
	_ =	sdelay $0x4  }
0x15: {  	vm0 =	vgt.s32 @!p0 v0, $0x0  }
0x16: {  	v0 =	vnsel @!p0 vm0, $0x0, v0  }
0x17: {  	v0 =	vmin.u32 @!p0 v0, $0x7FF;
	_ =	sdelay $0x2  }
0x18: {  	s14 =	simm.s32 @!p0 $0x0  }
0x19: {  	s13 =	sor.u32 @!p0 $0x40, s12;
	(ifvalue) =	ssetifvalue @!p0 $0x7FFFFFFF;
	s15 =	sor.u32 @!p0 $0x10, s12;
	vm0 =	vmmov @!p0 $0xffff  }
0x1a: {  	[tilespmem:s13], [sflag:$0x1] =	stream.indirect_vreg.gather @!p0 [hbm4b:s2+s14], $0x1, v0, vm0, $0x4038;
	[tilespmem:$0x80] =	vst v63  }
0x1b: {  	v0 =	vld.msk @!p0 [tilespmem:s15+$0x0 ss:$0x1], $0xffff;
	_ =	sdelay $0x4  }
0x1c: {  	vm1 =	vgt.s32 @!p0 v0, $0x0  }
0x1d: {  	v0 =	vnsel @!p0 vm1, $0x0, v0  }
0x1e: {  	v0 =	vmin.u32 @!p0 v0, $0x7FF;
	_ =	sdelay $0x3  }
0x1f: {  	s12 =	sor.u32 @!p0 $0x50, s12;
	(ifvalue) =	ssetifvalue @!p0 $0x7FFFFFFF  }
0x20: {  	[tilespmem:s12], [sflag:$0x1] =	stream.indirect_vreg.gather @!p0 [hbm4b:s2+s14], $0x1, v0, vm0, $0x4038;
	[tilespmem:$0x80] =	vst v63  }
0x21: {  	s12 =	simm.s32 @!p0 $0x1  }
0x22: {  	_ =	swait.ge @!p0 [sflag:s12], $0x20  }
0x23: {  	s14 =	sshrl.u32 @!p0 s11, $0x3;
	[sflag:s12] =	ssyncset.done @!p0 $0x0  }
0x24: {  	s11 =	sand.u32 @!p0 $0x7, s11;
	[sflag:s12] =	ssyncadd.s32 @!p0 $0xFFFFFFE0;
	s12 =	sadd.s32 @!p0 s6, s14  }
0x25: {  	[hbm4b:s12+s11] =	stream.linear.scatter @!p0 [tilespmem:s13], [sflag:$0x3], $0x20, $0x38;
	[tilespmem:$0x80] =	vst v63  }
0x26: {  	s13 =	sadd.s32 $0x400, s10  }
0x27: {  	p1 =	sgt.s32 s13, $0x7FF  }
0x28: {  	s13 =	smov.u32 @p1 s3;
	p1 =	sne.s32 s9, s7  }
.Ltmp0:
0x29: {  	p0 =	slt.u32 s9, $0x2;
	(pc) =	sbr.rel @p1 .LBB2_1-.Ltmp0, $4  }
0x2a: {  	s12 =	simm.s32 @!p0 $0x3  }
0x2b: {  	_ =	swait.ge @!p0 [sflag:s12], $0x20  }
0x2c: {  	s8 =	sadd.s32 $0x20, s8;
	s11 =	smov.u32 s10;
	[sflag:s12] =	ssyncset.done @!p0 $0x0  }
0x2d: {  	s9 =	sadd.s32 $0x1, s9;
	s10 =	smov.u32 s13;
	[sflag:s12] =	ssyncadd.s32 @!p0 $0xFFFFFFE0  }
0x2e: {  	_ =	sfence.sel $0x180000  }
0x2f: {  	s2 =	simm.s32 $0x2;
	[bflag:$0x0] =	sbarrier.arrive $0xFFFF  }
0x30: {  	s30 =	simm.s32 $0x3;
	[sflag:s2] =	ssyncpa.u1 $0x1  }
0x31: {  	s31 =	simm.s32 $0x1;
	[sflag:s30] =	ssyncpa.u1 $0x1  }
0x32: {  	[sflag:s31] =	ssyncpa.u1 $0x1  }
0x33: {  	p0 =	sne.s32 s0, $0x0;
	_ =	strace $0x90000047  }
0x34: {  	s0 =	sadd.s32 @!p0 $0x100000, s1;
	[bflag:$0x2] =	sbarrier.arrive $0xFFFF  }
0x35: {  	[sflag:s0] =	ssyncadd.tile.s32 @!p0 $0x1;
	_ =	shalt  }
.Lfunc_end2:
_tile_overlayer_lowered:
.L_overlay_start_2:
0x36: {  	(tag) =	ssettag $0x2  }
0x37: {  	s0 =	rddreg [dreg:$0x0];
	s2 =	stileid.u32  }
0x38: {  	s1 =	rddreg [dreg:$0x1];
	p0 =	sne.s32 s2, $0x0  }
0x39: {  	s3 =	rddreg [dreg:$0x2];
	[bflag:$0x3] =	sbarrier.arrive $0xFFFF;
	s2 =	simm.s32 @!p0 $0x1C01  }
0x3a: {  	[timem:s3], [sflag:s2] =	dma.local @!p0 [hbm:s0], s1  }
0x3b: {  	s0 =	simm.s32 @!p0 $0x1  }
0x3c: {  	_ =	swait.ge @!p0 [sflag:s0], s1  }
0x3d: {  	s1 =	ssub.s32 @!p0 $0x0, s1;
	[sflag:s0] =	ssyncset.done @!p0 $0x0  }
0x3e: {  	[sflag:s0] =	ssyncadd.s32 @!p0 s1  }
0x3f: {  	[bflag:$0x3] =	sbarrier.arrive $0xFFFF  }
0x40: {  	_ =	shalt  }

// kernel: scatter_offload_async_start
scs
__scs_entry_jumppad:
0x0: {  	(pc) =	sbr.rel $0x88, $3  }
0x1: {  	(tag) =	ssettag $0x0;
	lr =	simm.s32 $0x1  }
0x2: {  	[smem:$0x3F90] =	sst lr;
	_ =	strace $0xD0000000  }
0x3: {  	_ = 	snop  }
0x4: {  	_ = 	snop  }
0x5: {  	_ = 	snop  }
0x6: {  	_ = 	snop  }
0x7: {  	_ = 	snop  }
__scs_overlays_trampoline_lowered:
0x8: {  	[smem:$0x3F9F] =	sst s0  }
0x9: {  	[smem:$0x3FA0] =	sst s1  }
0xa: {  	[smem:$0x3FA1] =	sst s2  }
0xb: {  	[smem:$0x3FA2] =	sst s3  }
0xc: {  	[smem:$0x3FA3] =	sst s4  }
0xd: {  	[smem:$0x3FA4] =	sst s5  }
0xe: {  	[smem:$0x3FA5] =	sst s6  }
0xf: {  	[smem:$0x3FA6] =	sst s7  }
0x10: {  	[smem:$0x3FA7] =	sst s8  }
0x11: {  	[smem:$0x3FA8] =	sst s9;
	s0 =	simm.s32 @!p0 $0x0  }
0x12: {  	s1 =	sld [smem:$0x3F8E];
	s0 =	simm.s32 @p0 $0x1  }
0x13: {  	[smem:$0x3FA9] =	sst s0;
	s0 =	simm.s32 @!p1 $0x0  }
0x14: {  	s2 =	sld [smem:$0x3F8D];
	s0 =	simm.s32 @p1 $0x1  }
0x15: {  	[smem:$0x3FAA] =	sst s0;
	s0 =	simm.s32 @!p2 $0x0  }
0x16: {  	s3 =	sld [smem:$0x3FDB];
	s0 =	simm.s32 @p2 $0x1  }
0x17: {  	s4 =	simm.s32 $0x1BF5;
	[smem:$0x3FAC] =	sst s0  }
0x18: {  	s0 =	sld [smem:$0x3F8F];
	_ =	swait.ge [sflag:s4], $0x0  }
0x19: {  	s7 =	sld [smem:$0x3F90]  }
0x1a: {  	s8 =	sadd.s32 $0xFFFFE003, lr  }
0x1b: {  	s9 =	sadd.s32 $0xFFFFFEF7, lr;
	s5 =	simm.s32 $0xFFFFFFFF;
	p2 =	slt.u32 s8, $0xFFFFF086  }
0x1c: {  	p1 =	slt.u32 s9, $0xF7A;
	s5 =	simm.s32 @!p2 $0x0  }
0x1d: {  	s5 =	simm.s32 @p1 $0x1;
	p0 =	seq.s32 s7, s2  }
0x1e: {  	s7 =	smul.u32 @!p0 $0xF7A, s2;
	p2 =	seq.s32 @!p0 s5, $0x0  }
0x1f: {  	s9 =	smul.u32 $0xF7A, s1;
	s8 =	simm.s32 @!p0 $0x1BF5;
	p2 =	por !p2, p0  }
0x20: {  	[sflag:s8] =	ssyncset.s32 @!p0 $0xFFFFF086;
	s6 =	sadd.s32 @!p0 s3, s7;
	s7 =	simm.s32 @!p0 $0x108  }
0x21: {  	s3 =	sadd.s32 s3, s9;
	s6 =	sadd.s32 @!p0 $0x88, s6;
	s7 =	simm.s32 @p2 $0x1082  }
0x22: {  	[simem:s7], [sflag:s8] =	dma.local @!p0 [hbm:s6], $0xF7A  }
0x23: {  	s9 =	sor.u32 $0xD0000000, s2;
	s6 =	simm.s32 $0x108;
	_ =	swait.ge @!p0 [sflag:s8], $0x0  }
0x24: {  	s3 =	sadd.s32 $0x88, s3;
	s6 =	simm.s32 @!p1 $0x1082;
	[sflag:s4] =	ssyncset.s32 $0xFFFFF086  }
0x25: {  	[simem:s6], [sflag:s4] =	dma.local [hbm:s3], $0xF7A  }
0x26: {  	[smem:$0x3F90] =	sst s1;
	(tag) =	ssettag s2;
	_ =	strace s9  }
0x27: {  	s1 =	sld [smem:$0x3FA0]  }
0x28: {  	s2 =	sld [smem:$0x3FA1]  }
0x29: {  	s4 =	sld [smem:$0x3FA3]  }
0x2a: {  	p0 =	seq.s32 s5, $0x0;
	s5 =	sld [smem:$0x3FA4]  }
0x2b: {  	s6 =	sld [smem:$0x3FA5]  }
0x2c: {  	s7 =	sld [smem:$0x3FA6]  }
0x2d: {  	s3 =	simm.s32 $0x108;
	s8 =	sld [smem:$0x3FA7]  }
0x2e: {  	s3 =	simm.s32 @!p0 $0x1082;
	s9 =	sld [smem:$0x3FA8]  }
0x2f: {  	lr =	sadd.s32 s0, s3;
	s0 =	sld [smem:$0x3F9F]  }
0x30: {  	s3 =	sld [smem:$0x3FA2]  }
0x31: {  	[smem:$0x3FAB] =	sst s10  }
0x32: {  	s10 =	sld [smem:$0x3FA9];
	_ =	sdelay $0x3  }
0x33: {  	p0 =	seq.s32 s10, $0x1;
	s10 =	sld [smem:$0x3FAB];
	_ =	sdelay $0x3  }
0x34: {  	[smem:$0x3FAB] =	sst s10  }
0x35: {  	s10 =	sld [smem:$0x3FAA];
	_ =	sdelay $0x3  }
0x36: {  	p1 =	seq.s32 s10, $0x1;
	s10 =	sld [smem:$0x3FAB];
	_ =	sdelay $0x3  }
0x37: {  	[smem:$0x3FAB] =	sst s10  }
0x38: {  	s10 =	sld [smem:$0x3FAC]  }
0x39: {  	_ = 	snop;
	(pc) =	sbr.ind lr, $3  }
0x3a: {  	_ = 	snop  }
0x3b: {  	_ = 	snop  }
0x3c: {  	p2 =	seq.s32 s10, $0x1;
	s10 =	sld [smem:$0x3FAB]  }
0x3d: {  	_ =	shalt  }
0x3e: {  	_ =	shalt  }
0x3f: {  	_ =	shalt  }
0x40: {  	_ =	shalt  }
0x41: {  	_ =	shalt  }
0x42: {  	_ =	shalt  }
0x43: {  	_ =	shalt  }
0x44: {  	_ =	shalt  }
0x45: {  	_ =	shalt  }
0x46: {  	_ =	shalt  }
0x47: {  	_ =	shalt  }
0x48: {  	_ =	shalt  }
0x49: {  	_ =	shalt  }
0x4a: {  	_ =	shalt  }
0x4b: {  	_ =	shalt  }
0x4c: {  	_ =	shalt  }
0x4d: {  	_ =	shalt  }
0x4e: {  	_ =	shalt  }
0x4f: {  	_ =	shalt  }
0x50: {  	_ =	shalt  }
0x51: {  	_ =	shalt  }
0x52: {  	_ =	shalt  }
0x53: {  	_ =	shalt  }
0x54: {  	_ =	shalt  }
0x55: {  	_ =	shalt  }
0x56: {  	_ =	shalt  }
0x57: {  	_ =	shalt  }
0x58: {  	_ =	shalt  }
0x59: {  	_ =	shalt  }
0x5a: {  	_ =	shalt  }
0x5b: {  	_ =	shalt  }
0x5c: {  	_ =	shalt  }
0x5d: {  	_ =	shalt  }
0x5e: {  	_ =	shalt  }
0x5f: {  	_ =	shalt  }
0x60: {  	_ =	shalt  }
0x61: {  	_ =	shalt  }
0x62: {  	_ =	shalt  }
0x63: {  	_ =	shalt  }
0x64: {  	_ =	shalt  }
0x65: {  	_ =	shalt  }
0x66: {  	_ =	shalt  }
0x67: {  	_ =	shalt  }
0x68: {  	_ =	shalt  }
0x69: {  	_ =	shalt  }
0x6a: {  	_ =	shalt  }
0x6b: {  	_ =	shalt  }
0x6c: {  	_ =	shalt  }
0x6d: {  	_ =	shalt  }
0x6e: {  	_ =	shalt  }
0x6f: {  	_ =	shalt  }
0x70: {  	_ =	shalt  }
0x71: {  	_ =	shalt  }
0x72: {  	_ =	shalt  }
0x73: {  	_ =	shalt  }
0x74: {  	_ =	shalt  }
0x75: {  	_ =	shalt  }
0x76: {  	_ =	shalt  }
0x77: {  	_ =	shalt  }
0x78: {  	_ =	shalt  }
0x79: {  	_ =	shalt  }
0x7a: {  	_ =	shalt  }
0x7b: {  	_ =	shalt  }
0x7c: {  	_ =	shalt  }
0x7d: {  	_ =	shalt  }
0x7e: {  	_ =	shalt  }
0x7f: {  	_ =	shalt  }
0x80: {  	_ =	shalt  }
0x81: {  	_ =	shalt  }
0x82: {  	_ =	shalt  }
0x83: {  	_ =	shalt  }
0x84: {  	_ =	shalt  }
0x85: {  	_ =	shalt  }
0x86: {  	_ =	shalt  }
0x87: {  	_ =	shalt  }
.Lfunc_end0:
.L_simem_size_0:
called_computation_lowered:
.L_overlay_start_0:
0x88: {  	s0 =	sld [smem:$0x3FD9]  }
0x89: {  	s1 =	sld [smem:$0x3FFE];
	_ =	sdelay $0x3  }
0x8a: {  	s0 =	sadd.s32 s1, s0  }
0x8b: {  	[smem:$0x3FB7] =	sst s0  }
0x8c: {  	_ = 	snop  }
0x8d: {  	s0 =	sld [smem:$0x3FD0];
	(tm) =	ssettm $0x1  }
0x8e: {  	s16 =	sld [smem:$0x3FFB];
	_ =	sdelay $0x3  }
0x8f: {  	_ =	strace s16  }
0x90: {  	s1 =	sld [smem:$0x3FFC];
	_ =	sdelay $0x3  }
0x91: {  	_ =	strace s1  }
0x92: {  	s1 =	sld [smem:$0x3FFD];
	_ =	sdelay $0x3  }
0x93: {  	_ =	strace s1  }
0x94: {  	_ =	strace $0x8FFFFFFF  }
0x95: {  	s17 =	sld [smem:$0x3FDB];
	_ =	sdelay $0x1  }
0x96: {  	s2 =	simm.s32 $_scs_section_size  }
0x97: {  	s3 =	simm.s32 $_size__tile_overlayer_lowered;
	s4 =	simm.s32 $_tile_overlayer_lowered  }
0x98: {  	s20 =	simm.s32 $0x1BFF;
	s19 =	sshll.u32 s4, $0x1;
	s1 =	sadd.s32 s2, s17  }
0x99: {  	s5 =	simm.s32 $0x0;
	s18 =	sshll.u32 s3, $0x1;
	s3 =	sadd.s32 s19, s1  }
0x9a: {  	[timem:s5], [sflag:s20] =	dma.local [hbm:s3], s18  }
0x9b: {  	_ =	swait.ge [sflag:s20], s18  }
0x9c: {  	s2 =	ssub.s32 $0x0, s18;
	[sflag:s20] =	ssyncset.done $0x0  }
0x9d: {  	[sflag:s20] =	ssyncadd.s32 s2;
	_ =	sdelay $0x1  }
0x9e: {  	s21 =	simm.s32 $0x1B8B  }
0x9f: {  	_ =	swait.ge [sflag:s21], $0x1  }
0xa0: {  	[sflag:s21] =	ssyncset.done $0x0  }
0xa1: {  	s23 =	simm.s32 $0x1B8E;
	s22 =	sld [smem:$0x3FFE];
	[sflag:s21] =	ssyncadd.s32 $0xFFFFFFFF  }
0xa2: {  	s24 =	simm.s32 $execute0_lowered;
	[smem:$0x3FD2] =	sst s23  }
0xa3: {  	s3 =	sshll.u32 s24, $0x1;
	_ =	strace $0x80000049;
	[dreg:$0x1] =	wrdreg $0xFFFFFFFF  }
0xa4: {  	s25 =	simm.s32 $_size_execute0_lowered;
	s1 =	sadd.s32 s1, s3;
	[dreg:$0x0] =	wrdreg $0x0  }
0xa5: {  	s3 =	sshll.u32 s25, $0x1;
	[dreg:$0x2] =	wrdreg s1  }
0xa6: {  	[dreg:$0x3] =	wrdreg s3  }
0xa7: {  	[dreg:$0x4] =	wrdreg $0xC0  }
0xa8: {  	_ =	task [dreg:s5], $0x5FFFF  }
0xa9: {  	[dreg:$0x1] =	wrdreg $0xFFFFFFFF  }
0xaa: {  	[dreg:$0x0] =	wrdreg $0x60  }
0xab: {  	[dreg:$0x2] =	wrdreg s22  }
0xac: {  	[dreg:$0x3] =	wrdreg s0  }
0xad: {  	[dreg:$0x4] =	wrdreg $0x9  }
0xae: {  	_ =	task.clear_ibuf [dreg:s5], $0x5FFFF;
	_ =	strace $0x90000049  }
0xaf: {  	s26 =	simm.s32 $0x9;
	_ =	strace $0x8000004B  }
0xb0: {  	_ =	swait.ge [sflag:s26], $0x1  }
0xb1: {  	[sflag:s26] =	ssyncadd.s32 $0xFFFFFFFF  }
0xb2: {  	_ =	strace $0x9000004B  }
0xb3: {  	_ =	sfence  }
0xb4: {  	s28 =	sld [smem:$0x0];
	_ =	sdelay $0x1  }
0xb5: {  	s29 =	srdreg.scid  }
0xb6: {  	s30 =	sshll.u32 s29, $0xD;
	s31 =	sshrl.u32 s29, $0x2  }
0xb7: {  	s2 =	sand.u32 $0x4000, s30;
	s1 =	sand.u32 $0x1, s29;
	s0 =	sadd.s32 s31, s28  }
0xb8: {  	s1 =	sor.u32 s2, s1;
	s0 =	sshll.u32 s0, $0x11  }
0xb9: {  	s0 =	sor.u32 s0, s1  }
0xba: {  	s0 =	sadd.s32 $0x8F2B, s0  }
0xbb: {  	[sflag:s0] =	ssyncadd.remote.s32 $0x1  }
0xbc: {  	_ =	sfence.sel $0xFFFF  }
0xbd: {  	[dreg:$0x0] =	wrdreg $0xFFFFFFFF;
	(pc) =	sbr.abs _section_cstart, $3  }
0xbe: {  	[dreg:$0x1] =	wrdreg $0xFFFFFFFF  }
0xbf: {  	_ =	task.clear_ibuf [dreg:s5], $0x2FFFF;
	_ =	strace $0x9FFFFFFF  }
0xc0: {  	(tm) =	ssettm $0x7FFFFFFF  }
0xc1: {  	_ =	shalt  }
tec
execute0_lowered:
.L_overlay_start_1:
0x0: {  	(tag) =	ssettag $0x1  }
0x1: {  	s3 =	rddreg [dreg:$0x0]  }
0x2: {  	s4 =	rddreg [dreg:$0x1]  }
0x3: {  	s0 =	rddreg [dreg:$0x2];
	_ =	strace $0x8000004A;
	s5 =	stileid.u32  }
0x4: {  	s6 =	simm.s32 $0x3E;
	s1 =	sadd.s32 $0x65400, s3;
	p0 =	sne.s32 s5, $0x0  }
0x5: {  	[sflag:s6] =	ssyncpa.u1 $0x0;
	s7 =	simm.s32 @!p0 $0x1C3E;
	s2 =	simm.s32 @!p0 $0x0  }
0x6: {  	[spmem:s2], [sflag:s7] =	dma.local @!p0 [hbm:s1], $0x10  }
0x7: {  	s7 =	simm.s32 @!p0 $0x3E  }
0x8: {  	_ =	swait.ge @!p0 [sflag:s7], $0x10  }
0x9: {  	[sflag:s7] =	ssyncset.done @!p0 $0x0  }
0xa: {  	[sflag:s7] =	ssyncadd.s32 @!p0 $0xFFFFFFF0  }
0xb: {  	s13 =	simm.s32 $0x1;
	s14 =	simm.s32 $0x2;
	[bflag:$0x0] =	sbarrier.arrive $0xFFFF  }
0xc: {  	s8 =	simm.s32 $0x0;
	s9 =	simm.s32 $0x88;
	[sflag:s6] =	ssyncpa.u1 $0x1  }
0xd: {  	s3 =	sadd.s32 $0x65800, s3;
	s5 =	sshll.u32 s5, $0x4;
	[sflag:s13] =	ssyncpa.u1 $0x0  }
0xe: {  	s4 =	sadd.s32 s4, s5;
	(ifvalue) =	ssetifvalue $0x80;
	[sflag:s14] =	ssyncpa.u1 $0x0  }
0xf: {  	[tilespmem:s9], [sflag:$0x2] =	stream.linear.gather [hbm4b:s4+s8], $0x80, $0x38;
	[tilespmem:$0x208] =	vst v63  }
0x10: {  	s15 =	simm.s32 $0x188;
	s3 =	sadd.s32 s3, s5  }
0x11: {  	[tilespmem:s15], [sflag:$0x2] =	stream.linear.gather [hbm4b:s3+s8], $0x80, $0x38;
	[tilespmem:$0x208] =	vst v63  }
0x12: {  	_ =	swait.ge [sflag:s14], $0x100  }
0x13: {  	[sflag:s14] =	ssyncset.done $0x0  }
0x14: {  	[sflag:s14] =	ssyncadd.s32 $0xFFFFFF00  }
0x15: {  	v0 =	vld.msk [tilespmem:s9+$0x0 ss:$0x1], $0xffff;
	_ =	sdelay $0x4  }
0x16: {  	v0 =	vmin.u32 v0, $0x80;
	_ =	sdelay $0x3  }
0x17: {  	vm0 =	vmmov $0xffff;
	s16 =	simm.s32 $0x98  }
0x18: {  	[spmem:s8] =	stream.indirect_vreg.scatter.add.s32 [tilespmem:s15], [sflag:$0x1], $0x1, v0, vm0, $0x4038;
	[tilespmem:$0x208] =	vst v63  }
0x19: {  	v0 =	vld.msk [tilespmem:s16+$0x0 ss:$0x1], $0xffff;
	_ =	sdelay $0x4  }
0x1a: {  	v0 =	vmin.u32 v0, $0x80;
	_ =	sdelay $0x3  }
0x1b: {  	s17 =	simm.s32 $0x198;
	s18 =	simm.s32 $0xA8  }
0x1c: {  	[spmem:s8] =	stream.indirect_vreg.scatter.add.s32 [tilespmem:s17], [sflag:$0x1], $0x1, v0, vm0, $0x4038;
	[tilespmem:$0x208] =	vst v63  }
0x1d: {  	v0 =	vld.msk [tilespmem:s18+$0x0 ss:$0x1], $0xffff;
	_ =	sdelay $0x4  }
0x1e: {  	v0 =	vmin.u32 v0, $0x80;
	_ =	sdelay $0x3  }
0x1f: {  	s19 =	simm.s32 $0x1A8;
	s20 =	simm.s32 $0xB8  }
0x20: {  	[spmem:s8] =	stream.indirect_vreg.scatter.add.s32 [tilespmem:s19], [sflag:$0x1], $0x1, v0, vm0, $0x4038;
	[tilespmem:$0x208] =	vst v63  }
0x21: {  	v0 =	vld.msk [tilespmem:s20+$0x0 ss:$0x1], $0xffff;
	_ =	sdelay $0x4  }
0x22: {  	v0 =	vmin.u32 v0, $0x80;
	_ =	sdelay $0x3  }
0x23: {  	s21 =	simm.s32 $0x1B8;
	s22 =	simm.s32 $0xC8  }
0x24: {  	[spmem:s8] =	stream.indirect_vreg.scatter.add.s32 [tilespmem:s21], [sflag:$0x1], $0x1, v0, vm0, $0x4038;
	[tilespmem:$0x208] =	vst v63  }
0x25: {  	v0 =	vld.msk [tilespmem:s22+$0x0 ss:$0x1], $0xffff;
	_ =	sdelay $0x4  }
0x26: {  	v0 =	vmin.u32 v0, $0x80;
	_ =	sdelay $0x3  }
0x27: {  	s23 =	simm.s32 $0x1C8;
	s24 =	simm.s32 $0xD8  }
0x28: {  	[spmem:s8] =	stream.indirect_vreg.scatter.add.s32 [tilespmem:s23], [sflag:$0x1], $0x1, v0, vm0, $0x4038;
	[tilespmem:$0x208] =	vst v63  }
0x29: {  	v0 =	vld.msk [tilespmem:s24+$0x0 ss:$0x1], $0xffff;
	_ =	sdelay $0x4  }
0x2a: {  	v0 =	vmin.u32 v0, $0x80;
	_ =	sdelay $0x3  }
0x2b: {  	s25 =	simm.s32 $0x1D8;
	s26 =	simm.s32 $0xE8  }
0x2c: {  	[spmem:s8] =	stream.indirect_vreg.scatter.add.s32 [tilespmem:s25], [sflag:$0x1], $0x1, v0, vm0, $0x4038;
	[tilespmem:$0x208] =	vst v63  }
0x2d: {  	v0 =	vld.msk [tilespmem:s26+$0x0 ss:$0x1], $0xffff;
	_ =	sdelay $0x4  }
0x2e: {  	v0 =	vmin.u32 v0, $0x80;
	_ =	sdelay $0x3  }
0x2f: {  	s28 =	simm.s32 $0x1E8;
	s29 =	simm.s32 $0xF8  }
0x30: {  	[spmem:s8] =	stream.indirect_vreg.scatter.add.s32 [tilespmem:s28], [sflag:$0x1], $0x1, v0, vm0, $0x4038;
	[tilespmem:$0x208] =	vst v63  }
0x31: {  	v0 =	vld.msk [tilespmem:s29+$0x0 ss:$0x1], $0xffff;
	_ =	sdelay $0x4  }
0x32: {  	v0 =	vmin.u32 v0, $0x80;
	_ =	sdelay $0x3  }
0x33: {  	s30 =	simm.s32 $0x1F8  }
0x34: {  	[spmem:s8] =	stream.indirect_vreg.scatter.add.s32 [tilespmem:s30], [sflag:$0x1], $0x1, v0, vm0, $0x4038;
	[tilespmem:$0x208] =	vst v63  }
0x35: {  	_ =	swait.ge [sflag:s13], $0x80  }
0x36: {  	[sflag:s13] =	ssyncset.done $0x0  }
0x37: {  	[sflag:s13] =	ssyncadd.s32 $0xFFFFFF80  }
0x38: {  	_ =	sfence.sel $0x180000  }
0x39: {  	[bflag:$0x0] =	sbarrier.arrive $0xFFFF  }
0x3a: {  	[sflag:s14] =	ssyncpa.u1 $0x1  }
0x3b: {  	[sflag:s13] =	ssyncpa.u1 $0x1  }
0x3c: {  	_ =	sfence.stream.spmem  }
0x3d: {  	s31 =	simm.s32 $0x3D;
	[bflag:$0x0] =	sbarrier.arrive $0xFFFF  }
0x3e: {  	s3 =	simm.s32 @p0 $0x3D;
	[sflag:s31] =	ssyncpa.u1 $0x0  }
0x3f: {  	[sflag:s3] =	ssyncpa.u1 @p0 $0x1  }
0x40: {  	[bflag:$0x0] =	sbarrier.arrive @p0 $0xFFFF  }
0x41: {  	_ =	strace @p0 $0x9000004A  }
0x42: {  	s3 =	simm.s32 @!p0 $0x1C3D;
	[bflag:$0x2] =	sbarrier.arrive @p0 $0xFFFF  }
0x43: {  	[hbm:s1], [sflag:s3] =	dma.local @!p0 [spmem:s2], $0x10  }
0x44: {  	s1 =	simm.s32 @!p0 $0x3D  }
0x45: {  	_ =	swait.ge @!p0 [sflag:s1], $0x10  }
0x46: {  	[sflag:s1] =	ssyncset.done @!p0 $0x0  }
0x47: {  	[sflag:s1] =	ssyncadd.s32 @!p0 $0xFFFFFFF0  }
0x48: {  	[sflag:s1] =	ssyncpa.u1 @!p0 $0x1  }
0x49: {  	[bflag:$0x0] =	sbarrier.arrive @!p0 $0xFFFF  }
0x4a: {  	_ =	strace @!p0 $0x9000004A  }
0x4b: {  	s0 =	sadd.s32 @!p0 $0x100000, s0;
	[bflag:$0x2] =	sbarrier.arrive @!p0 $0xFFFF  }
0x4c: {  	[sflag:s0] =	ssyncadd.tile.s32 @!p0 $0x1;
	_ =	shalt  }
.Lfunc_end2:
_tile_overlayer_lowered:
.L_overlay_start_2:
0x4d: {  	(tag) =	ssettag $0x2  }
0x4e: {  	s0 =	rddreg [dreg:$0x0];
	s2 =	stileid.u32  }
0x4f: {  	s1 =	rddreg [dreg:$0x1];
	p0 =	sne.s32 s2, $0x0  }
0x50: {  	s3 =	rddreg [dreg:$0x2];
	[bflag:$0x3] =	sbarrier.arrive $0xFFFF;
	s2 =	simm.s32 @!p0 $0x1C01  }
0x51: {  	[timem:s3], [sflag:s2] =	dma.local @!p0 [hbm:s0], s1  }
0x52: {  	s0 =	simm.s32 @!p0 $0x1  }
0x53: {  	_ =	swait.ge @!p0 [sflag:s0], s1  }
0x54: {  	s1 =	ssub.s32 @!p0 $0x0, s1;
	[sflag:s0] =	ssyncset.done @!p0 $0x0  }
0x55: {  	[sflag:s0] =	ssyncadd.s32 @!p0 s1  }
0x56: {  	[bflag:$0x3] =	sbarrier.arrive $0xFFFF  }
0x57: {  	_ =	shalt  }

</sc_bundles>
